<compile_context>
chip_gen: v7x
topology: tpu7x:2x2x1
jax: 0.10.2.dev20260603
libtpu: 0.0.44.dev20260713+nightly
codegen_flags: <defaults>
</compile_context>

<pallas_src>
import functools

import jax
import jax.numpy as jnp
from jax import lax
from jax.experimental import pallas as pl
from jax.experimental.pallas import tpu as pltpu
from jax.experimental.pallas import tpu_sc as plsc

N = 10000
NP = 10112
RPT = 632
E = 320000
T = 32
K = 80
B = 125
EP = T * K * B
D = 128
G = 64
C = 10
BN_EPS = 1e-5
BM = 1000
NBLK = N // BM


def _sc_degree_body(dst_hbm, zeros_hbm, ones_hbm, out_hbm, idx_v, ones_v, acc, _sem):
    c = lax.axis_index("c")
    s = lax.axis_index("s")
    wid = c * 16 + s
    lo = s * RPT
    pltpu.sync_copy(zeros_hbm, acc.at[pl.ds(lo, RPT)])
    pltpu.sync_copy(ones_hbm, ones_v)
    pltpu.sync_copy(dst_hbm.at[wid], idx_v)
    plsc.subcore_barrier()

    def step(j, carry):
        pltpu.sync_copy(ones_v, acc.at[idx_v.at[j]], add=True)
        return carry

    lax.fori_loop(0, K, step, 0)
    plsc.subcore_barrier()
    pltpu.sync_copy(acc.at[pl.ds(lo, RPT)], out_hbm.at[c, pl.ds(lo, RPT)])


@functools.cache
def _get_sc_degree():
    return functools.partial(
        pl.kernel,
        out_type=jax.ShapeDtypeStruct((2, NP, D), jnp.float32),
        scratch_types=[
            pltpu.VMEM((K, B), jnp.int32),
            pltpu.VMEM((B, D), jnp.float32),
            pltpu.VMEM_SHARED((NP, D), jnp.float32),
            pltpu.SemaphoreType.DMA,
        ],
        mesh=plsc.VectorSubcoreMesh(core_axis_name="c", subcore_axis_name="s"),
    )(_sc_degree_body)


def _sc_degree(*args):
    return _get_sc_degree()(*args)



def _sc_prop_body(h_hbm, src_hbm, dst_hbm, zeros_hbm, out_hbm,
                  idx_s, idx_d, buf0, acc, gsem):
    c = lax.axis_index("c")
    s = lax.axis_index("s")
    wid = c * 16 + s
    lo = s * RPT
    pltpu.sync_copy(zeros_hbm, acc.at[pl.ds(lo, RPT)])
    pltpu.sync_copy(src_hbm.at[wid], idx_s)
    pltpu.sync_copy(dst_hbm.at[wid], idx_d)
    plsc.subcore_barrier()

    def step(j, carry):
        pltpu.async_copy(h_hbm.at[idx_s.at[j]], buf0, gsem).wait()
        pltpu.sync_copy(buf0, acc.at[idx_d.at[j]], add=True)
        return carry

    lax.fori_loop(0, K, step, 0)

    plsc.subcore_barrier()
    pltpu.sync_copy(acc.at[pl.ds(lo, RPT)], out_hbm.at[c, pl.ds(lo, RPT)])


@functools.cache
def _get_sc_prop():
    return functools.partial(
        pl.kernel,
        out_type=jax.ShapeDtypeStruct((2, NP, D), jnp.float32),
        scratch_types=[
            pltpu.VMEM((K, B), jnp.int32),
            pltpu.VMEM((K, B), jnp.int32),
            pltpu.VMEM((B, D), jnp.float32),
            pltpu.VMEM_SHARED((NP, D), jnp.float32),
            pltpu.SemaphoreType.DMA,
        ],
        mesh=plsc.VectorSubcoreMesh(core_axis_name="c", subcore_axis_name="s"),
    )(_sc_prop_body)


def _sc_prop(*args):
    return _get_sc_prop()(*args)



def _dinv_of(d0_ref, d1_ref):
    deg = 1.0 + d0_ref[0][:, 0:1] + d1_ref[0][:, 0:1]
    return lax.rsqrt(jnp.maximum(deg, 1.0))


def _mm0_body(d0_ref, d1_ref, x_ref, w_ref, o_ref):
    dinv = _dinv_of(d0_ref, d1_ref)
    h = jnp.dot(x_ref[...], w_ref[...], preferred_element_type=jnp.float32)
    o_ref[...] = h * dinv


def _layer_body(d0_ref, d1_ref, p0_ref, p1_ref, ht_ref, w_ref, ab_ref, o_ref):
    dinv = _dinv_of(d0_ref, d1_ref)
    agg = dinv * (p0_ref[0] + p1_ref[0] + ht_ref[...])
    y = jnp.maximum(ab_ref[0:1, :] * agg + ab_ref[1:2, :], 0.0)
    o_ref[...] = jnp.dot(y, w_ref[...], preferred_element_type=jnp.float32) * dinv


def _head_body(d0_ref, d1_ref, p0_ref, p1_ref, ht_ref, b_ref, ab_ref,
               fc1_ref, fc1b_ref, fc2_ref, fc2b_ref, o_ref, accs, accc):
    i = pl.program_id(0)

    @pl.when(i == 0)
    def _():
        accs[...] = jnp.zeros_like(accs)
        accc[...] = jnp.zeros_like(accc)

    dinv = _dinv_of(d0_ref, d1_ref)
    agg = dinv * (p0_ref[0] + p1_ref[0] + ht_ref[...])
    y = jnp.maximum(ab_ref[0:1, :] * agg + ab_ref[1:2, :], 0.0)
    m = (b_ref[...] == lax.broadcasted_iota(jnp.int32, (BM, G), 1))
    m = m.astype(jnp.float32)
    accs[...] += lax.dot_general(m, y, (((0,), (0,)), ((), ())),
                                 preferred_element_type=jnp.float32)
    accc[...] += jnp.sum(m, axis=0)[:, None]

    @pl.when(i == NBLK - 1)
    def _():
        pooled = accs[...] / jnp.maximum(accc[...], 1.0)
        z = jnp.maximum(jnp.dot(pooled, fc1_ref[...],
                                preferred_element_type=jnp.float32) + fc1b_ref[...], 0.0)
        o_ref[...] = jnp.dot(z, fc2_ref[...],
                             preferred_element_type=jnp.float32) + fc2b_ref[...]


def _deg_specs():
    return [
        pl.BlockSpec((1, BM, 16), lambda i: (0, i, 0)),
        pl.BlockSpec((1, BM, 16), lambda i: (1, i, 0)),
    ]


def _mm0(pdeg, x, w):
    return pl.pallas_call(
        _mm0_body,
        grid=(NBLK,),
        in_specs=_deg_specs() + [
            pl.BlockSpec((BM, D), lambda i: (i, 0)),
            pl.BlockSpec((D, D), lambda i: (0, 0)),
        ],
        out_specs=pl.BlockSpec((BM, D), lambda i: (i, 0)),
        out_shape=jax.ShapeDtypeStruct((N, D), jnp.float32),
    )(pdeg, pdeg, x, w)


def _layer(pdeg, p, ht, w, ab):
    return pl.pallas_call(
        _layer_body,
        grid=(NBLK,),
        in_specs=_deg_specs() + [
            pl.BlockSpec((1, BM, D), lambda i: (0, i, 0)),
            pl.BlockSpec((1, BM, D), lambda i: (1, i, 0)),
            pl.BlockSpec((BM, D), lambda i: (i, 0)),
            pl.BlockSpec((D, D), lambda i: (0, 0)),
            pl.BlockSpec((2, D), lambda i: (0, 0)),
        ],
        out_specs=pl.BlockSpec((BM, D), lambda i: (i, 0)),
        out_shape=jax.ShapeDtypeStruct((N, D), jnp.float32),
    )(pdeg, pdeg, p, p, ht, w, ab)


def _head(pdeg, p, ht, bcol, ab, fc1_w, fc1_b, fc2_w, fc2_b):
    return pl.pallas_call(
        _head_body,
        grid=(NBLK,),
        in_specs=_deg_specs() + [
            pl.BlockSpec((1, BM, D), lambda i: (0, i, 0)),
            pl.BlockSpec((1, BM, D), lambda i: (1, i, 0)),
            pl.BlockSpec((BM, D), lambda i: (i, 0)),
            pl.BlockSpec((BM, 1), lambda i: (i, 0)),
            pl.BlockSpec((2, D), lambda i: (0, 0)),
            pl.BlockSpec((D, G), lambda i: (0, 0)),
            pl.BlockSpec((1, G), lambda i: (0, 0)),
            pl.BlockSpec((G, C), lambda i: (0, 0)),
            pl.BlockSpec((1, C), lambda i: (0, 0)),
        ],
        out_specs=pl.BlockSpec((G, C), lambda i: (0, 0)),
        out_shape=jax.ShapeDtypeStruct((G, C), jnp.float32),
        scratch_shapes=[
            pltpu.VMEM((G, D), jnp.float32),
            pltpu.VMEM((G, D), jnp.float32),
        ],
    )(pdeg, pdeg, p, p, ht, bcol, ab, fc1_w, fc1_b, fc2_w, fc2_b)



def kernel(x, edge_index, batch, W0, b0, g0, be0, W1, b1, g1, be1,
           W2, b2, g2, be2, fc1_w, fc1_b, fc2_w, fc2_b):
    pad = EP - E
    src = jnp.concatenate(
        [edge_index[0].astype(jnp.int32), jnp.zeros((pad,), jnp.int32)]
    ).reshape(T, K, B)
    dst = jnp.concatenate(
        [edge_index[1].astype(jnp.int32), jnp.full((pad,), N, jnp.int32)]
    ).reshape(T, K, B)
    bcol = batch.astype(jnp.int32).reshape(N, 1)

    onesD = jnp.ones((B, D), jnp.float32)
    zD = jnp.zeros((RPT, D), jnp.float32)

    inv_bn = 1.0 / jnp.sqrt(1.0 + BN_EPS)
    abs_ = []
    for (g, b, be) in ((g0, b0, be0), (g1, b1, be1), (g2, b2, be2)):
        alpha = g * inv_bn
        abs_.append(jnp.stack([alpha, alpha * b + be]))

    pdeg = _sc_degree(dst, zD, onesD)[:, :, :16]

    ht = _mm0(pdeg, x, W0)
    p = _sc_prop(ht, src, dst, zD)
    ht1 = _layer(pdeg, p, ht, W1, abs_[0])
    p = _sc_prop(ht1, src, dst, zD)
    ht2 = _layer(pdeg, p, ht1, W2, abs_[1])
    p = _sc_prop(ht2, src, dst, zD)
    return _head(pdeg, p, ht2, bcol, abs_[2], fc1_w, fc1_b.reshape(1, G),
                 fc2_w, fc2_b.reshape(1, C))

# --- scband reference (transcript-rebuilt; emitter-appended) ---
"""Pipeline reference for scband-gcnclassifier-78915729097080 (READ-ONLY COPY).

The authoritative reference and input builder live on the scoring server;
editing this copy changes nothing except your own understanding.
"""

import jax, jax.numpy as jnp
import numpy as np

N = 10000
E = 320000
D = 128
H = 128
G = 64
C = 10
BN_EPS = 1e-5


def setup_inputs(seed: int = 0) -> dict:
    key = jax.random.key(seed)
    ks = jax.random.split(key, 20)
    inp = {}
    inp["x"] = jax.random.normal(ks[0], (N, D), dtype=jnp.float32)
    inp["edge_index"] = jax.random.randint(ks[1], (2, E), 0, N, dtype=jnp.int64)
    inp["batch"] = jnp.sort(jax.random.randint(ks[2], (N,), 0, G, dtype=jnp.int64))
    dims = [D, H, H, H]
    for i in range(3):
        fan = dims[i]
        inp[f"W{i}"] = jax.random.normal(ks[3 + i], (dims[i], dims[i + 1]), dtype=jnp.float32) / np.sqrt(fan)
        inp[f"b{i}"] = jnp.zeros((dims[i + 1],), dtype=jnp.float32)
        inp[f"g{i}"] = jnp.ones((dims[i + 1],), dtype=jnp.float32)
        inp[f"be{i}"] = jnp.zeros((dims[i + 1],), dtype=jnp.float32)
    inp["fc1_w"] = jax.random.normal(ks[10], (H, H // 2), dtype=jnp.float32) / np.sqrt(H)
    inp["fc1_b"] = jnp.zeros((H // 2,), dtype=jnp.float32)
    inp["fc2_w"] = jax.random.normal(ks[11], (H // 2, C), dtype=jnp.float32) / np.sqrt(H // 2)
    inp["fc2_b"] = jnp.zeros((C,), dtype=jnp.float32)
    return inp


def _gcn_conv(x, src, dst, W, b):
    # PyG GCNConv: add self-loops, symmetric normalization, linear transform, scatter-add
    n = x.shape[0]
    loop = jnp.arange(n, dtype=src.dtype)
    s = jnp.concatenate([src, loop])
    d = jnp.concatenate([dst, loop])
    h = x @ W
    deg = jnp.zeros((n,), dtype=x.dtype).at[d].add(1.0)
    dinv = 1.0 / jnp.sqrt(jnp.clip(deg, 1.0))
    norm = dinv[s] * dinv[d]
    msg = h[s] * norm[:, None]
    out = jnp.zeros((n, W.shape[1]), dtype=x.dtype).at[d].add(msg)
    return out + b


def _bn_eval(h, g, be):
    # eval-mode BatchNorm1d with running_mean=0, running_var=1
    return g * h / jnp.sqrt(1.0 + BN_EPS) + be


def reference(x, edge_index, batch, W0, b0, g0, be0, W1, b1, g1, be1, W2, b2, g2, be2, fc1_w, fc1_b, fc2_w, fc2_b):
    src = edge_index[0]
    dst = edge_index[1]
    h = x
    params = [(W0, b0, g0, be0), (W1, b1, g1, be1), (W2, b2, g2, be2)]
    for (W, b, g, be) in params:
        h = _gcn_conv(h, src, dst, W, b)
        h = _bn_eval(h, g, be)
        h = jax.nn.relu(h)
        # dropout is identity in eval mode
    # global mean pool per graph
    sums = jnp.zeros((G, h.shape[1]), dtype=h.dtype).at[batch].add(h)
    cnts = jnp.zeros((G,), dtype=h.dtype).at[batch].add(1.0)
    pooled = sums / jnp.clip(cnts, 1.0)[:, None]
    # MLP head
    z = jax.nn.relu(pooled @ fc1_w + fc1_b)
    return z @ fc2_w + fc2_b

if __name__ == "__main__":
    import jax
    _d = setup_inputs()
    print(jax.jit(kernel)(*tuple(_d.values())))

</pallas_src>

<mosaic_0001>
#map = affine_map<(d0, d1) -> (0, 0, 0)>
#map1 = affine_map<(d0, d1) -> (0, 0)>
module attributes {stable_mosaic.version = 14 : i64} {
  func.func @_sc_degree_body(%arg0: i32, %arg1: i32, %arg2: memref<32x80x125xi32, #tpu.memory_space<hbm>>, %arg3: memref<632x128xf32, #tpu.memory_space<hbm>>, %arg4: memref<125x128xf32, #tpu.memory_space<hbm>>, %arg5: memref<2x10112x128xf32, #tpu.memory_space<hbm>>, %arg6: memref<80x125xi32, #tpu.memory_space<vmem>>, %arg7: memref<125x128xf32, #tpu.memory_space<vmem>>, %arg8: memref<10112x128xf32, #tpu.memory_space<vmem_shared>>, %arg9: memref<!tpu.dma_semaphore, #tpu.memory_space<semaphore_mem>>) attributes {dimension_semantics = [#tpu.dimension_semantics<core_parallel>, #tpu.dimension_semantics<subcore_parallel>], iteration_bounds = array<i64: 2, 16>, scalar_prefetch = 0 : i64, scratch_operands = 4 : i64, tpu.core_type = #tpu.core_type<sc_vector_subcore>, window_params = [{transform_indices = #map}, {transform_indices = #map1}, {transform_indices = #map1}, {transform_indices = #map}]} {
    %mul3A = arith.constant 16 : i32
    %mul3A_0 = arith.muli %arg0, %mul3A : i32
    %add3A = arith.addi %mul3A_0, %arg1 : i32
    %mul3A_1 = arith.constant 632 : i32
    %mul3A_2 = arith.muli %arg1, %mul3A_1 : i32
    "tpu.region"() ({
      %run_scoped3A = tpu.sem_alloc : memref<!tpu.dma_semaphore, #tpu.memory_space<semaphore_mem>>
      %dma_start3A = arith.constant 0 : i32
      %dma_start3A_9 = tpu.memref_slice %arg8[%mul3A_2, %dma_start3A] : memref<10112x128xf32, #tpu.memory_space<vmem_shared>> -> memref<632x128xf32, #tpu.memory_space<vmem_shared>>
      tpu.enqueue_dma source(%arg3 : memref<632x128xf32, #tpu.memory_space<hbm>>) target(%dma_start3A_9 : memref<632x128xf32, #tpu.memory_space<vmem_shared>>) target_semaphore(%run_scoped3A : memref<!tpu.dma_semaphore, #tpu.memory_space<semaphore_mem>>)
      %dma_wait3A = arith.constant 0 : i32
      %dma_wait3A_10 = tpu.memref_slice %arg8[%mul3A_2, %dma_wait3A] : memref<10112x128xf32, #tpu.memory_space<vmem_shared>> -> memref<632x128xf32, #tpu.memory_space<vmem_shared>>
      tpu.wait_dma2 semaphore(%run_scoped3A : memref<!tpu.dma_semaphore, #tpu.memory_space<semaphore_mem>>) src(%arg3 : memref<632x128xf32, #tpu.memory_space<hbm>>) dst(%dma_wait3A_10 : memref<632x128xf32, #tpu.memory_space<vmem_shared>>)
      tpu.yield
    }) : () -> ()
    "tpu.region"() ({
      %run_scoped3A = tpu.sem_alloc : memref<!tpu.dma_semaphore, #tpu.memory_space<semaphore_mem>>
      tpu.enqueue_dma source(%arg4 : memref<125x128xf32, #tpu.memory_space<hbm>>) target(%arg7 : memref<125x128xf32, #tpu.memory_space<vmem>>) target_semaphore(%run_scoped3A : memref<!tpu.dma_semaphore, #tpu.memory_space<semaphore_mem>>)
      tpu.wait_dma2 semaphore(%run_scoped3A : memref<!tpu.dma_semaphore, #tpu.memory_space<semaphore_mem>>) src(%arg4 : memref<125x128xf32, #tpu.memory_space<hbm>>) dst(%arg7 : memref<125x128xf32, #tpu.memory_space<vmem>>)
      tpu.yield
    }) : () -> ()
    "tpu.region"() ({
      %run_scoped3A = tpu.sem_alloc : memref<!tpu.dma_semaphore, #tpu.memory_space<semaphore_mem>>
      %dma_start3A = arith.constant 0 : i32
      %dma_start3A_9 = arith.constant 0 : i32
      %dma_start3A_10 = tpu.memref_slice %arg2[%add3A, %dma_start3A, %dma_start3A_9] : memref<32x80x125xi32, #tpu.memory_space<hbm>> -> memref<1x80x125xi32, #tpu.memory_space<hbm>>
      %dma_start3A_11 = tpu.memref_squeeze %dma_start3A_10 : memref<1x80x125xi32, #tpu.memory_space<hbm>> -> memref<80x125xi32, #tpu.memory_space<hbm>>
      %dma_start3A_12 = arith.constant 0 : i32
      %dma_start3A_13 = arith.constant 0 : i32
      %dma_start3A_14 = tpu.memref_slice %arg2[%add3A, %dma_start3A_12, %dma_start3A_13] : memref<32x80x125xi32, #tpu.memory_space<hbm>> -> memref<1x80x125xi32, #tpu.memory_space<hbm>>
      %dma_start3A_15 = tpu.memref_squeeze %dma_start3A_14 : memref<1x80x125xi32, #tpu.memory_space<hbm>> -> memref<80x125xi32, #tpu.memory_space<hbm>>
      tpu.enqueue_dma source(%dma_start3A_15 : memref<80x125xi32, #tpu.memory_space<hbm>>) target(%arg6 : memref<80x125xi32, #tpu.memory_space<vmem>>) target_semaphore(%run_scoped3A : memref<!tpu.dma_semaphore, #tpu.memory_space<semaphore_mem>>)
      %dma_wait3A = arith.constant 0 : i32
      %dma_wait3A_16 = arith.constant 0 : i32
      %dma_wait3A_17 = tpu.memref_slice %arg2[%add3A, %dma_wait3A, %dma_wait3A_16] : memref<32x80x125xi32, #tpu.memory_space<hbm>> -> memref<1x80x125xi32, #tpu.memory_space<hbm>>
      %dma_wait3A_18 = tpu.memref_squeeze %dma_wait3A_17 : memref<1x80x125xi32, #tpu.memory_space<hbm>> -> memref<80x125xi32, #tpu.memory_space<hbm>>
      %dma_wait3A_19 = arith.constant 0 : i32
      %dma_wait3A_20 = arith.constant 0 : i32
      %dma_wait3A_21 = tpu.memref_slice %arg2[%add3A, %dma_wait3A_19, %dma_wait3A_20] : memref<32x80x125xi32, #tpu.memory_space<hbm>> -> memref<1x80x125xi32, #tpu.memory_space<hbm>>
      %dma_wait3A_22 = tpu.memref_squeeze %dma_wait3A_21 : memref<1x80x125xi32, #tpu.memory_space<hbm>> -> memref<80x125xi32, #tpu.memory_space<hbm>>
      tpu.wait_dma2 semaphore(%run_scoped3A : memref<!tpu.dma_semaphore, #tpu.memory_space<semaphore_mem>>) src(%dma_wait3A_22 : memref<80x125xi32, #tpu.memory_space<hbm>>) dst(%arg6 : memref<80x125xi32, #tpu.memory_space<vmem>>)
      tpu.yield
    }) : () -> ()
    %barrier3A = arith.constant 0 : index
    tpu.barrier barrier_id(%barrier3A)
    %scan3A = arith.constant 0 : i32
    %scan3A_3 = arith.constant 0 : i32
    %scan3A_4 = arith.constant 80 : i32
    %scan3A_5 = arith.addi %scan3A_3, %scan3A_4 : i32
    %scan3A_6 = arith.constant 1 : i32
    scf.for %scan3A_9 = %scan3A_3 to %scan3A_5 step %scan3A_6  : i32 {
      "tpu.region"() ({
        %run_scoped3A = tpu.sem_alloc : memref<!tpu.dma_semaphore, #tpu.memory_space<semaphore_mem>>
        %dma_start3A = arith.constant 0 : i32
        %dma_start3A_10 = tpu.memref_slice %arg6[%scan3A_9, %dma_start3A] : memref<80x125xi32, #tpu.memory_space<vmem>> -> memref<1x125xi32, #tpu.memory_space<vmem>>
        %dma_start3A_11 = tpu.memref_squeeze %dma_start3A_10 : memref<1x125xi32, #tpu.memory_space<vmem>> -> memref<125xi32, #tpu.memory_space<vmem>>
        %dma_start3A_12 = arith.constant 0 : i32
        %dma_start3A_13 = arith.constant 0 : i32
        %dma_start3A_14 = tpu.memref_slice %arg8[%dma_start3A_12, %dma_start3A_13] : memref<10112x128xf32, #tpu.memory_space<vmem_shared>> -> memref<10112x128xf32, #tpu.memory_space<vmem_shared>>
        tpu.enqueue_indirect_dma source(%arg7 : memref<125x128xf32, #tpu.memory_space<vmem>>) target(%dma_start3A_14 : memref<10112x128xf32, #tpu.memory_space<vmem_shared>>) offsets(%dma_start3A_11 : memref<125xi32, #tpu.memory_space<vmem>>) semaphore(%run_scoped3A : memref<!tpu.dma_semaphore, #tpu.memory_space<semaphore_mem>>) {add = true}
        %dma_wait3A = arith.constant 0 : i32
        %dma_wait3A_15 = tpu.memref_slice %arg6[%scan3A_9, %dma_wait3A] : memref<80x125xi32, #tpu.memory_space<vmem>> -> memref<1x125xi32, #tpu.memory_space<vmem>>
        %dma_wait3A_16 = tpu.memref_squeeze %dma_wait3A_15 : memref<1x125xi32, #tpu.memory_space<vmem>> -> memref<125xi32, #tpu.memory_space<vmem>>
        %dma_wait3A_17 = arith.constant 0 : i32
        %dma_wait3A_18 = arith.constant 0 : i32
        %dma_wait3A_19 = tpu.memref_slice %arg8[%dma_wait3A_17, %dma_wait3A_18] : memref<10112x128xf32, #tpu.memory_space<vmem_shared>> -> memref<10112x128xf32, #tpu.memory_space<vmem_shared>>
        tpu.wait_indirect_dma semaphore(%run_scoped3A : memref<!tpu.dma_semaphore, #tpu.memory_space<semaphore_mem>>) src(%arg7 : memref<125x128xf32, #tpu.memory_space<vmem>>) dst(%dma_wait3A_19 : memref<10112x128xf32, #tpu.memory_space<vmem_shared>>)
        tpu.yield
      }) : () -> ()
    }
    %scan3A_7 = arith.constant 80 : i32
    %barrier3A_8 = arith.constant 0 : index
    tpu.barrier barrier_id(%barrier3A_8)
    "tpu.region"() ({
      %run_scoped3A = tpu.sem_alloc : memref<!tpu.dma_semaphore, #tpu.memory_space<semaphore_mem>>
      %dma_start3A = arith.constant 0 : i32
      %dma_start3A_9 = tpu.memref_slice %arg5[%arg0, %mul3A_2, %dma_start3A] : memref<2x10112x128xf32, #tpu.memory_space<hbm>> -> memref<1x632x128xf32, #tpu.memory_space<hbm>>
      %dma_start3A_10 = tpu.memref_squeeze %dma_start3A_9 : memref<1x632x128xf32, #tpu.memory_space<hbm>> -> memref<632x128xf32, #tpu.memory_space<hbm>>
      %dma_start3A_11 = arith.constant 0 : i32
      %dma_start3A_12 = tpu.memref_slice %arg8[%mul3A_2, %dma_start3A_11] : memref<10112x128xf32, #tpu.memory_space<vmem_shared>> -> memref<632x128xf32, #tpu.memory_space<vmem_shared>>
      tpu.enqueue_dma source(%dma_start3A_12 : memref<632x128xf32, #tpu.memory_space<vmem_shared>>) target(%dma_start3A_10 : memref<632x128xf32, #tpu.memory_space<hbm>>) target_semaphore(%run_scoped3A : memref<!tpu.dma_semaphore, #tpu.memory_space<semaphore_mem>>)
      %dma_wait3A = arith.constant 0 : i32
      %dma_wait3A_13 = tpu.memref_slice %arg5[%arg0, %mul3A_2, %dma_wait3A] : memref<2x10112x128xf32, #tpu.memory_space<hbm>> -> memref<1x632x128xf32, #tpu.memory_space<hbm>>
      %dma_wait3A_14 = tpu.memref_squeeze %dma_wait3A_13 : memref<1x632x128xf32, #tpu.memory_space<hbm>> -> memref<632x128xf32, #tpu.memory_space<hbm>>
      %dma_wait3A_15 = arith.constant 0 : i32
      %dma_wait3A_16 = tpu.memref_slice %arg8[%mul3A_2, %dma_wait3A_15] : memref<10112x128xf32, #tpu.memory_space<vmem_shared>> -> memref<632x128xf32, #tpu.memory_space<vmem_shared>>
      tpu.wait_dma2 semaphore(%run_scoped3A : memref<!tpu.dma_semaphore, #tpu.memory_space<semaphore_mem>>) src(%dma_wait3A_16 : memref<632x128xf32, #tpu.memory_space<vmem_shared>>) dst(%dma_wait3A_14 : memref<632x128xf32, #tpu.memory_space<hbm>>)
      tpu.yield
    }) : () -> ()
    return
  }
}

#map = affine_map<(d0, d1) -> (0, 0)>
#map1 = affine_map<(d0, d1) -> (0, 0, 0)>
module attributes {stable_mosaic.version = 14 : i64} {
  func.func @_sc_prop_body(%arg0: i32, %arg1: i32, %arg2: memref<10000x128xf32, #tpu.memory_space<hbm>>, %arg3: memref<32x80x125xi32, #tpu.memory_space<hbm>>, %arg4: memref<32x80x125xi32, #tpu.memory_space<hbm>>, %arg5: memref<632x128xf32, #tpu.memory_space<hbm>>, %arg6: memref<2x10112x128xf32, #tpu.memory_space<hbm>>, %arg7: memref<80x125xi32, #tpu.memory_space<vmem>>, %arg8: memref<80x125xi32, #tpu.memory_space<vmem>>, %arg9: memref<125x128xf32, #tpu.memory_space<vmem>>, %arg10: memref<10112x128xf32, #tpu.memory_space<vmem_shared>>, %arg11: memref<!tpu.dma_semaphore, #tpu.memory_space<semaphore_mem>>) attributes {dimension_semantics = [#tpu.dimension_semantics<core_parallel>, #tpu.dimension_semantics<subcore_parallel>], iteration_bounds = array<i64: 2, 16>, scalar_prefetch = 0 : i64, scratch_operands = 5 : i64, tpu.core_type = #tpu.core_type<sc_vector_subcore>, window_params = [{transform_indices = #map}, {transform_indices = #map1}, {transform_indices = #map1}, {transform_indices = #map}, {transform_indices = #map1}]} {
    %mul3A = arith.constant 16 : i32
    %mul3A_0 = arith.muli %arg0, %mul3A : i32
    %add3A = arith.addi %mul3A_0, %arg1 : i32
    %mul3A_1 = arith.constant 632 : i32
    %mul3A_2 = arith.muli %arg1, %mul3A_1 : i32
    "tpu.region"() ({
      %run_scoped3A = tpu.sem_alloc : memref<!tpu.dma_semaphore, #tpu.memory_space<semaphore_mem>>
      %dma_start3A = arith.constant 0 : i32
      %dma_start3A_9 = tpu.memref_slice %arg10[%mul3A_2, %dma_start3A] : memref<10112x128xf32, #tpu.memory_space<vmem_shared>> -> memref<632x128xf32, #tpu.memory_space<vmem_shared>>
      tpu.enqueue_dma source(%arg5 : memref<632x128xf32, #tpu.memory_space<hbm>>) target(%dma_start3A_9 : memref<632x128xf32, #tpu.memory_space<vmem_shared>>) target_semaphore(%run_scoped3A : memref<!tpu.dma_semaphore, #tpu.memory_space<semaphore_mem>>)
      %dma_wait3A = arith.constant 0 : i32
      %dma_wait3A_10 = tpu.memref_slice %arg10[%mul3A_2, %dma_wait3A] : memref<10112x128xf32, #tpu.memory_space<vmem_shared>> -> memref<632x128xf32, #tpu.memory_space<vmem_shared>>
      tpu.wait_dma2 semaphore(%run_scoped3A : memref<!tpu.dma_semaphore, #tpu.memory_space<semaphore_mem>>) src(%arg5 : memref<632x128xf32, #tpu.memory_space<hbm>>) dst(%dma_wait3A_10 : memref<632x128xf32, #tpu.memory_space<vmem_shared>>)
      tpu.yield
    }) : () -> ()
    "tpu.region"() ({
      %run_scoped3A = tpu.sem_alloc : memref<!tpu.dma_semaphore, #tpu.memory_space<semaphore_mem>>
      %dma_start3A = arith.constant 0 : i32
      %dma_start3A_9 = arith.constant 0 : i32
      %dma_start3A_10 = tpu.memref_slice %arg3[%add3A, %dma_start3A, %dma_start3A_9] : memref<32x80x125xi32, #tpu.memory_space<hbm>> -> memref<1x80x125xi32, #tpu.memory_space<hbm>>
      %dma_start3A_11 = tpu.memref_squeeze %dma_start3A_10 : memref<1x80x125xi32, #tpu.memory_space<hbm>> -> memref<80x125xi32, #tpu.memory_space<hbm>>
      %dma_start3A_12 = arith.constant 0 : i32
      %dma_start3A_13 = arith.constant 0 : i32
      %dma_start3A_14 = tpu.memref_slice %arg3[%add3A, %dma_start3A_12, %dma_start3A_13] : memref<32x80x125xi32, #tpu.memory_space<hbm>> -> memref<1x80x125xi32, #tpu.memory_space<hbm>>
      %dma_start3A_15 = tpu.memref_squeeze %dma_start3A_14 : memref<1x80x125xi32, #tpu.memory_space<hbm>> -> memref<80x125xi32, #tpu.memory_space<hbm>>
      tpu.enqueue_dma source(%dma_start3A_15 : memref<80x125xi32, #tpu.memory_space<hbm>>) target(%arg7 : memref<80x125xi32, #tpu.memory_space<vmem>>) target_semaphore(%run_scoped3A : memref<!tpu.dma_semaphore, #tpu.memory_space<semaphore_mem>>)
      %dma_wait3A = arith.constant 0 : i32
      %dma_wait3A_16 = arith.constant 0 : i32
      %dma_wait3A_17 = tpu.memref_slice %arg3[%add3A, %dma_wait3A, %dma_wait3A_16] : memref<32x80x125xi32, #tpu.memory_space<hbm>> -> memref<1x80x125xi32, #tpu.memory_space<hbm>>
      %dma_wait3A_18 = tpu.memref_squeeze %dma_wait3A_17 : memref<1x80x125xi32, #tpu.memory_space<hbm>> -> memref<80x125xi32, #tpu.memory_space<hbm>>
      %dma_wait3A_19 = arith.constant 0 : i32
      %dma_wait3A_20 = arith.constant 0 : i32
      %dma_wait3A_21 = tpu.memref_slice %arg3[%add3A, %dma_wait3A_19, %dma_wait3A_20] : memref<32x80x125xi32, #tpu.memory_space<hbm>> -> memref<1x80x125xi32, #tpu.memory_space<hbm>>
      %dma_wait3A_22 = tpu.memref_squeeze %dma_wait3A_21 : memref<1x80x125xi32, #tpu.memory_space<hbm>> -> memref<80x125xi32, #tpu.memory_space<hbm>>
      tpu.wait_dma2 semaphore(%run_scoped3A : memref<!tpu.dma_semaphore, #tpu.memory_space<semaphore_mem>>) src(%dma_wait3A_22 : memref<80x125xi32, #tpu.memory_space<hbm>>) dst(%arg7 : memref<80x125xi32, #tpu.memory_space<vmem>>)
      tpu.yield
    }) : () -> ()
    "tpu.region"() ({
      %run_scoped3A = tpu.sem_alloc : memref<!tpu.dma_semaphore, #tpu.memory_space<semaphore_mem>>
      %dma_start3A = arith.constant 0 : i32
      %dma_start3A_9 = arith.constant 0 : i32
      %dma_start3A_10 = tpu.memref_slice %arg4[%add3A, %dma_start3A, %dma_start3A_9] : memref<32x80x125xi32, #tpu.memory_space<hbm>> -> memref<1x80x125xi32, #tpu.memory_space<hbm>>
      %dma_start3A_11 = tpu.memref_squeeze %dma_start3A_10 : memref<1x80x125xi32, #tpu.memory_space<hbm>> -> memref<80x125xi32, #tpu.memory_space<hbm>>
      %dma_start3A_12 = arith.constant 0 : i32
      %dma_start3A_13 = arith.constant 0 : i32
      %dma_start3A_14 = tpu.memref_slice %arg4[%add3A, %dma_start3A_12, %dma_start3A_13] : memref<32x80x125xi32, #tpu.memory_space<hbm>> -> memref<1x80x125xi32, #tpu.memory_space<hbm>>
      %dma_start3A_15 = tpu.memref_squeeze %dma_start3A_14 : memref<1x80x125xi32, #tpu.memory_space<hbm>> -> memref<80x125xi32, #tpu.memory_space<hbm>>
      tpu.enqueue_dma source(%dma_start3A_15 : memref<80x125xi32, #tpu.memory_space<hbm>>) target(%arg8 : memref<80x125xi32, #tpu.memory_space<vmem>>) target_semaphore(%run_scoped3A : memref<!tpu.dma_semaphore, #tpu.memory_space<semaphore_mem>>)
      %dma_wait3A = arith.constant 0 : i32
      %dma_wait3A_16 = arith.constant 0 : i32
      %dma_wait3A_17 = tpu.memref_slice %arg4[%add3A, %dma_wait3A, %dma_wait3A_16] : memref<32x80x125xi32, #tpu.memory_space<hbm>> -> memref<1x80x125xi32, #tpu.memory_space<hbm>>
      %dma_wait3A_18 = tpu.memref_squeeze %dma_wait3A_17 : memref<1x80x125xi32, #tpu.memory_space<hbm>> -> memref<80x125xi32, #tpu.memory_space<hbm>>
      %dma_wait3A_19 = arith.constant 0 : i32
      %dma_wait3A_20 = arith.constant 0 : i32
      %dma_wait3A_21 = tpu.memref_slice %arg4[%add3A, %dma_wait3A_19, %dma_wait3A_20] : memref<32x80x125xi32, #tpu.memory_space<hbm>> -> memref<1x80x125xi32, #tpu.memory_space<hbm>>
      %dma_wait3A_22 = tpu.memref_squeeze %dma_wait3A_21 : memref<1x80x125xi32, #tpu.memory_space<hbm>> -> memref<80x125xi32, #tpu.memory_space<hbm>>
      tpu.wait_dma2 semaphore(%run_scoped3A : memref<!tpu.dma_semaphore, #tpu.memory_space<semaphore_mem>>) src(%dma_wait3A_22 : memref<80x125xi32, #tpu.memory_space<hbm>>) dst(%arg8 : memref<80x125xi32, #tpu.memory_space<vmem>>)
      tpu.yield
    }) : () -> ()
    %barrier3A = arith.constant 0 : index
    tpu.barrier barrier_id(%barrier3A)
    %scan3A = arith.constant 0 : i32
    %scan3A_3 = arith.constant 0 : i32
    %scan3A_4 = arith.constant 80 : i32
    %scan3A_5 = arith.addi %scan3A_3, %scan3A_4 : i32
    %scan3A_6 = arith.constant 1 : i32
    scf.for %scan3A_9 = %scan3A_3 to %scan3A_5 step %scan3A_6  : i32 {
      %dma_start3A = arith.constant 0 : i32
      %dma_start3A_10 = tpu.memref_slice %arg7[%scan3A_9, %dma_start3A] : memref<80x125xi32, #tpu.memory_space<vmem>> -> memref<1x125xi32, #tpu.memory_space<vmem>>
      %dma_start3A_11 = tpu.memref_squeeze %dma_start3A_10 : memref<1x125xi32, #tpu.memory_space<vmem>> -> memref<125xi32, #tpu.memory_space<vmem>>
      %dma_start3A_12 = arith.constant 0 : i32
      %dma_start3A_13 = arith.constant 0 : i32
      %dma_start3A_14 = tpu.memref_slice %arg2[%dma_start3A_12, %dma_start3A_13] : memref<10000x128xf32, #tpu.memory_space<hbm>> -> memref<10000x128xf32, #tpu.memory_space<hbm>>
      tpu.enqueue_indirect_dma source(%dma_start3A_14 : memref<10000x128xf32, #tpu.memory_space<hbm>>) target(%arg9 : memref<125x128xf32, #tpu.memory_space<vmem>>) offsets(%dma_start3A_11 : memref<125xi32, #tpu.memory_space<vmem>>) semaphore(%arg11 : memref<!tpu.dma_semaphore, #tpu.memory_space<semaphore_mem>>)
      %dma_wait3A = arith.constant 0 : i32
      %dma_wait3A_15 = tpu.memref_slice %arg7[%scan3A_9, %dma_wait3A] : memref<80x125xi32, #tpu.memory_space<vmem>> -> memref<1x125xi32, #tpu.memory_space<vmem>>
      %dma_wait3A_16 = tpu.memref_squeeze %dma_wait3A_15 : memref<1x125xi32, #tpu.memory_space<vmem>> -> memref<125xi32, #tpu.memory_space<vmem>>
      %dma_wait3A_17 = arith.constant 0 : i32
      %dma_wait3A_18 = arith.constant 0 : i32
      %dma_wait3A_19 = tpu.memref_slice %arg2[%dma_wait3A_17, %dma_wait3A_18] : memref<10000x128xf32, #tpu.memory_space<hbm>> -> memref<10000x128xf32, #tpu.memory_space<hbm>>
      tpu.wait_indirect_dma semaphore(%arg11 : memref<!tpu.dma_semaphore, #tpu.memory_space<semaphore_mem>>) src(%dma_wait3A_19 : memref<10000x128xf32, #tpu.memory_space<hbm>>) dst(%arg9 : memref<125x128xf32, #tpu.memory_space<vmem>>)
      "tpu.region"() ({
        %run_scoped3A = tpu.sem_alloc : memref<!tpu.dma_semaphore, #tpu.memory_space<semaphore_mem>>
        %dma_start3A_20 = arith.constant 0 : i32
        %dma_start3A_21 = tpu.memref_slice %arg8[%scan3A_9, %dma_start3A_20] : memref<80x125xi32, #tpu.memory_space<vmem>> -> memref<1x125xi32, #tpu.memory_space<vmem>>
        %dma_start3A_22 = tpu.memref_squeeze %dma_start3A_21 : memref<1x125xi32, #tpu.memory_space<vmem>> -> memref<125xi32, #tpu.memory_space<vmem>>
        %dma_start3A_23 = arith.constant 0 : i32
        %dma_start3A_24 = arith.constant 0 : i32
        %dma_start3A_25 = tpu.memref_slice %arg10[%dma_start3A_23, %dma_start3A_24] : memref<10112x128xf32, #tpu.memory_space<vmem_shared>> -> memref<10112x128xf32, #tpu.memory_space<vmem_shared>>
        tpu.enqueue_indirect_dma source(%arg9 : memref<125x128xf32, #tpu.memory_space<vmem>>) target(%dma_start3A_25 : memref<10112x128xf32, #tpu.memory_space<vmem_shared>>) offsets(%dma_start3A_22 : memref<125xi32, #tpu.memory_space<vmem>>) semaphore(%run_scoped3A : memref<!tpu.dma_semaphore, #tpu.memory_space<semaphore_mem>>) {add = true}
        %dma_wait3A_26 = arith.constant 0 : i32
        %dma_wait3A_27 = tpu.memref_slice %arg8[%scan3A_9, %dma_wait3A_26] : memref<80x125xi32, #tpu.memory_space<vmem>> -> memref<1x125xi32, #tpu.memory_space<vmem>>
        %dma_wait3A_28 = tpu.memref_squeeze %dma_wait3A_27 : memref<1x125xi32, #tpu.memory_space<vmem>> -> memref<125xi32, #tpu.memory_space<vmem>>
        %dma_wait3A_29 = arith.constant 0 : i32
        %dma_wait3A_30 = arith.constant 0 : i32
        %dma_wait3A_31 = tpu.memref_slice %arg10[%dma_wait3A_29, %dma_wait3A_30] : memref<10112x128xf32, #tpu.memory_space<vmem_shared>> -> memref<10112x128xf32, #tpu.memory_space<vmem_shared>>
        tpu.wait_indirect_dma semaphore(%run_scoped3A : memref<!tpu.dma_semaphore, #tpu.memory_space<semaphore_mem>>) src(%arg9 : memref<125x128xf32, #tpu.memory_space<vmem>>) dst(%dma_wait3A_31 : memref<10112x128xf32, #tpu.memory_space<vmem_shared>>)
        tpu.yield
      }) : () -> ()
    }
    %scan3A_7 = arith.constant 80 : i32
    %barrier3A_8 = arith.constant 0 : index
    tpu.barrier barrier_id(%barrier3A_8)
    "tpu.region"() ({
      %run_scoped3A = tpu.sem_alloc : memref<!tpu.dma_semaphore, #tpu.memory_space<semaphore_mem>>
      %dma_start3A = arith.constant 0 : i32
      %dma_start3A_9 = tpu.memref_slice %arg6[%arg0, %mul3A_2, %dma_start3A] : memref<2x10112x128xf32, #tpu.memory_space<hbm>> -> memref<1x632x128xf32, #tpu.memory_space<hbm>>
      %dma_start3A_10 = tpu.memref_squeeze %dma_start3A_9 : memref<1x632x128xf32, #tpu.memory_space<hbm>> -> memref<632x128xf32, #tpu.memory_space<hbm>>
      %dma_start3A_11 = arith.constant 0 : i32
      %dma_start3A_12 = tpu.memref_slice %arg10[%mul3A_2, %dma_start3A_11] : memref<10112x128xf32, #tpu.memory_space<vmem_shared>> -> memref<632x128xf32, #tpu.memory_space<vmem_shared>>
      tpu.enqueue_dma source(%dma_start3A_12 : memref<632x128xf32, #tpu.memory_space<vmem_shared>>) target(%dma_start3A_10 : memref<632x128xf32, #tpu.memory_space<hbm>>) target_semaphore(%run_scoped3A : memref<!tpu.dma_semaphore, #tpu.memory_space<semaphore_mem>>)
      %dma_wait3A = arith.constant 0 : i32
      %dma_wait3A_13 = tpu.memref_slice %arg6[%arg0, %mul3A_2, %dma_wait3A] : memref<2x10112x128xf32, #tpu.memory_space<hbm>> -> memref<1x632x128xf32, #tpu.memory_space<hbm>>
      %dma_wait3A_14 = tpu.memref_squeeze %dma_wait3A_13 : memref<1x632x128xf32, #tpu.memory_space<hbm>> -> memref<632x128xf32, #tpu.memory_space<hbm>>
      %dma_wait3A_15 = arith.constant 0 : i32
      %dma_wait3A_16 = tpu.memref_slice %arg10[%mul3A_2, %dma_wait3A_15] : memref<10112x128xf32, #tpu.memory_space<vmem_shared>> -> memref<632x128xf32, #tpu.memory_space<vmem_shared>>
      tpu.wait_dma2 semaphore(%run_scoped3A : memref<!tpu.dma_semaphore, #tpu.memory_space<semaphore_mem>>) src(%dma_wait3A_16 : memref<632x128xf32, #tpu.memory_space<vmem_shared>>) dst(%dma_wait3A_14 : memref<632x128xf32, #tpu.memory_space<hbm>>)
      tpu.yield
    }) : () -> ()
    return
  }
}

#map = affine_map<(d0, d1) -> (0, 0)>
#map1 = affine_map<(d0, d1) -> (0, 0, 0)>
module attributes {stable_mosaic.version = 14 : i64} {
  func.func @_sc_prop_body(%arg0: i32, %arg1: i32, %arg2: memref<10000x128xf32, #tpu.memory_space<hbm>>, %arg3: memref<32x80x125xi32, #tpu.memory_space<hbm>>, %arg4: memref<32x80x125xi32, #tpu.memory_space<hbm>>, %arg5: memref<632x128xf32, #tpu.memory_space<hbm>>, %arg6: memref<2x10112x128xf32, #tpu.memory_space<hbm>>, %arg7: memref<80x125xi32, #tpu.memory_space<vmem>>, %arg8: memref<80x125xi32, #tpu.memory_space<vmem>>, %arg9: memref<125x128xf32, #tpu.memory_space<vmem>>, %arg10: memref<10112x128xf32, #tpu.memory_space<vmem_shared>>, %arg11: memref<!tpu.dma_semaphore, #tpu.memory_space<semaphore_mem>>) attributes {dimension_semantics = [#tpu.dimension_semantics<core_parallel>, #tpu.dimension_semantics<subcore_parallel>], iteration_bounds = array<i64: 2, 16>, scalar_prefetch = 0 : i64, scratch_operands = 5 : i64, tpu.core_type = #tpu.core_type<sc_vector_subcore>, window_params = [{transform_indices = #map}, {transform_indices = #map1}, {transform_indices = #map1}, {transform_indices = #map}, {transform_indices = #map1}]} {
    %mul3A = arith.constant 16 : i32
    %mul3A_0 = arith.muli %arg0, %mul3A : i32
    %add3A = arith.addi %mul3A_0, %arg1 : i32
    %mul3A_1 = arith.constant 632 : i32
    %mul3A_2 = arith.muli %arg1, %mul3A_1 : i32
    "tpu.region"() ({
      %run_scoped3A = tpu.sem_alloc : memref<!tpu.dma_semaphore, #tpu.memory_space<semaphore_mem>>
      %dma_start3A = arith.constant 0 : i32
      %dma_start3A_9 = tpu.memref_slice %arg10[%mul3A_2, %dma_start3A] : memref<10112x128xf32, #tpu.memory_space<vmem_shared>> -> memref<632x128xf32, #tpu.memory_space<vmem_shared>>
      tpu.enqueue_dma source(%arg5 : memref<632x128xf32, #tpu.memory_space<hbm>>) target(%dma_start3A_9 : memref<632x128xf32, #tpu.memory_space<vmem_shared>>) target_semaphore(%run_scoped3A : memref<!tpu.dma_semaphore, #tpu.memory_space<semaphore_mem>>)
      %dma_wait3A = arith.constant 0 : i32
      %dma_wait3A_10 = tpu.memref_slice %arg10[%mul3A_2, %dma_wait3A] : memref<10112x128xf32, #tpu.memory_space<vmem_shared>> -> memref<632x128xf32, #tpu.memory_space<vmem_shared>>
      tpu.wait_dma2 semaphore(%run_scoped3A : memref<!tpu.dma_semaphore, #tpu.memory_space<semaphore_mem>>) src(%arg5 : memref<632x128xf32, #tpu.memory_space<hbm>>) dst(%dma_wait3A_10 : memref<632x128xf32, #tpu.memory_space<vmem_shared>>)
      tpu.yield
    }) : () -> ()
    "tpu.region"() ({
      %run_scoped3A = tpu.sem_alloc : memref<!tpu.dma_semaphore, #tpu.memory_space<semaphore_mem>>
      %dma_start3A = arith.constant 0 : i32
      %dma_start3A_9 = arith.constant 0 : i32
      %dma_start3A_10 = tpu.memref_slice %arg3[%add3A, %dma_start3A, %dma_start3A_9] : memref<32x80x125xi32, #tpu.memory_space<hbm>> -> memref<1x80x125xi32, #tpu.memory_space<hbm>>
      %dma_start3A_11 = tpu.memref_squeeze %dma_start3A_10 : memref<1x80x125xi32, #tpu.memory_space<hbm>> -> memref<80x125xi32, #tpu.memory_space<hbm>>
      %dma_start3A_12 = arith.constant 0 : i32
      %dma_start3A_13 = arith.constant 0 : i32
      %dma_start3A_14 = tpu.memref_slice %arg3[%add3A, %dma_start3A_12, %dma_start3A_13] : memref<32x80x125xi32, #tpu.memory_space<hbm>> -> memref<1x80x125xi32, #tpu.memory_space<hbm>>
      %dma_start3A_15 = tpu.memref_squeeze %dma_start3A_14 : memref<1x80x125xi32, #tpu.memory_space<hbm>> -> memref<80x125xi32, #tpu.memory_space<hbm>>
      tpu.enqueue_dma source(%dma_start3A_15 : memref<80x125xi32, #tpu.memory_space<hbm>>) target(%arg7 : memref<80x125xi32, #tpu.memory_space<vmem>>) target_semaphore(%run_scoped3A : memref<!tpu.dma_semaphore, #tpu.memory_space<semaphore_mem>>)
      %dma_wait3A = arith.constant 0 : i32
      %dma_wait3A_16 = arith.constant 0 : i32
      %dma_wait3A_17 = tpu.memref_slice %arg3[%add3A, %dma_wait3A, %dma_wait3A_16] : memref<32x80x125xi32, #tpu.memory_space<hbm>> -> memref<1x80x125xi32, #tpu.memory_space<hbm>>
      %dma_wait3A_18 = tpu.memref_squeeze %dma_wait3A_17 : memref<1x80x125xi32, #tpu.memory_space<hbm>> -> memref<80x125xi32, #tpu.memory_space<hbm>>
      %dma_wait3A_19 = arith.constant 0 : i32
      %dma_wait3A_20 = arith.constant 0 : i32
      %dma_wait3A_21 = tpu.memref_slice %arg3[%add3A, %dma_wait3A_19, %dma_wait3A_20] : memref<32x80x125xi32, #tpu.memory_space<hbm>> -> memref<1x80x125xi32, #tpu.memory_space<hbm>>
      %dma_wait3A_22 = tpu.memref_squeeze %dma_wait3A_21 : memref<1x80x125xi32, #tpu.memory_space<hbm>> -> memref<80x125xi32, #tpu.memory_space<hbm>>
      tpu.wait_dma2 semaphore(%run_scoped3A : memref<!tpu.dma_semaphore, #tpu.memory_space<semaphore_mem>>) src(%dma_wait3A_22 : memref<80x125xi32, #tpu.memory_space<hbm>>) dst(%arg7 : memref<80x125xi32, #tpu.memory_space<vmem>>)
      tpu.yield
    }) : () -> ()
    "tpu.region"() ({
      %run_scoped3A = tpu.sem_alloc : memref<!tpu.dma_semaphore, #tpu.memory_space<semaphore_mem>>
      %dma_start3A = arith.constant 0 : i32
      %dma_start3A_9 = arith.constant 0 : i32
      %dma_start3A_10 = tpu.memref_slice %arg4[%add3A, %dma_start3A, %dma_start3A_9] : memref<32x80x125xi32, #tpu.memory_space<hbm>> -> memref<1x80x125xi32, #tpu.memory_space<hbm>>
      %dma_start3A_11 = tpu.memref_squeeze %dma_start3A_10 : memref<1x80x125xi32, #tpu.memory_space<hbm>> -> memref<80x125xi32, #tpu.memory_space<hbm>>
      %dma_start3A_12 = arith.constant 0 : i32
      %dma_start3A_13 = arith.constant 0 : i32
      %dma_start3A_14 = tpu.memref_slice %arg4[%add3A, %dma_start3A_12, %dma_start3A_13] : memref<32x80x125xi32, #tpu.memory_space<hbm>> -> memref<1x80x125xi32, #tpu.memory_space<hbm>>
      %dma_start3A_15 = tpu.memref_squeeze %dma_start3A_14 : memref<1x80x125xi32, #tpu.memory_space<hbm>> -> memref<80x125xi32, #tpu.memory_space<hbm>>
      tpu.enqueue_dma source(%dma_start3A_15 : memref<80x125xi32, #tpu.memory_space<hbm>>) target(%arg8 : memref<80x125xi32, #tpu.memory_space<vmem>>) target_semaphore(%run_scoped3A : memref<!tpu.dma_semaphore, #tpu.memory_space<semaphore_mem>>)
      %dma_wait3A = arith.constant 0 : i32
      %dma_wait3A_16 = arith.constant 0 : i32
      %dma_wait3A_17 = tpu.memref_slice %arg4[%add3A, %dma_wait3A, %dma_wait3A_16] : memref<32x80x125xi32, #tpu.memory_space<hbm>> -> memref<1x80x125xi32, #tpu.memory_space<hbm>>
      %dma_wait3A_18 = tpu.memref_squeeze %dma_wait3A_17 : memref<1x80x125xi32, #tpu.memory_space<hbm>> -> memref<80x125xi32, #tpu.memory_space<hbm>>
      %dma_wait3A_19 = arith.constant 0 : i32
      %dma_wait3A_20 = arith.constant 0 : i32
      %dma_wait3A_21 = tpu.memref_slice %arg4[%add3A, %dma_wait3A_19, %dma_wait3A_20] : memref<32x80x125xi32, #tpu.memory_space<hbm>> -> memref<1x80x125xi32, #tpu.memory_space<hbm>>
      %dma_wait3A_22 = tpu.memref_squeeze %dma_wait3A_21 : memref<1x80x125xi32, #tpu.memory_space<hbm>> -> memref<80x125xi32, #tpu.memory_space<hbm>>
      tpu.wait_dma2 semaphore(%run_scoped3A : memref<!tpu.dma_semaphore, #tpu.memory_space<semaphore_mem>>) src(%dma_wait3A_22 : memref<80x125xi32, #tpu.memory_space<hbm>>) dst(%arg8 : memref<80x125xi32, #tpu.memory_space<vmem>>)
      tpu.yield
    }) : () -> ()
    %barrier3A = arith.constant 0 : index
    tpu.barrier barrier_id(%barrier3A)
    %scan3A = arith.constant 0 : i32
    %scan3A_3 = arith.constant 0 : i32
    %scan3A_4 = arith.constant 80 : i32
    %scan3A_5 = arith.addi %scan3A_3, %scan3A_4 : i32
    %scan3A_6 = arith.constant 1 : i32
    scf.for %scan3A_9 = %scan3A_3 to %scan3A_5 step %scan3A_6  : i32 {
      %dma_start3A = arith.constant 0 : i32
      %dma_start3A_10 = tpu.memref_slice %arg7[%scan3A_9, %dma_start3A] : memref<80x125xi32, #tpu.memory_space<vmem>> -> memref<1x125xi32, #tpu.memory_space<vmem>>
      %dma_start3A_11 = tpu.memref_squeeze %dma_start3A_10 : memref<1x125xi32, #tpu.memory_space<vmem>> -> memref<125xi32, #tpu.memory_space<vmem>>
      %dma_start3A_12 = arith.constant 0 : i32
      %dma_start3A_13 = arith.constant 0 : i32
      %dma_start3A_14 = tpu.memref_slice %arg2[%dma_start3A_12, %dma_start3A_13] : memref<10000x128xf32, #tpu.memory_space<hbm>> -> memref<10000x128xf32, #tpu.memory_space<hbm>>
      tpu.enqueue_indirect_dma source(%dma_start3A_14 : memref<10000x128xf32, #tpu.memory_space<hbm>>) target(%arg9 : memref<125x128xf32, #tpu.memory_space<vmem>>) offsets(%dma_start3A_11 : memref<125xi32, #tpu.memory_space<vmem>>) semaphore(%arg11 : memref<!tpu.dma_semaphore, #tpu.memory_space<semaphore_mem>>)
      %dma_wait3A = arith.constant 0 : i32
      %dma_wait3A_15 = tpu.memref_slice %arg7[%scan3A_9, %dma_wait3A] : memref<80x125xi32, #tpu.memory_space<vmem>> -> memref<1x125xi32, #tpu.memory_space<vmem>>
      %dma_wait3A_16 = tpu.memref_squeeze %dma_wait3A_15 : memref<1x125xi32, #tpu.memory_space<vmem>> -> memref<125xi32, #tpu.memory_space<vmem>>
      %dma_wait3A_17 = arith.constant 0 : i32
      %dma_wait3A_18 = arith.constant 0 : i32
      %dma_wait3A_19 = tpu.memref_slice %arg2[%dma_wait3A_17, %dma_wait3A_18] : memref<10000x128xf32, #tpu.memory_space<hbm>> -> memref<10000x128xf32, #tpu.memory_space<hbm>>
      tpu.wait_indirect_dma semaphore(%arg11 : memref<!tpu.dma_semaphore, #tpu.memory_space<semaphore_mem>>) src(%dma_wait3A_19 : memref<10000x128xf32, #tpu.memory_space<hbm>>) dst(%arg9 : memref<125x128xf32, #tpu.memory_space<vmem>>)
      "tpu.region"() ({
        %run_scoped3A = tpu.sem_alloc : memref<!tpu.dma_semaphore, #tpu.memory_space<semaphore_mem>>
        %dma_start3A_20 = arith.constant 0 : i32
        %dma_start3A_21 = tpu.memref_slice %arg8[%scan3A_9, %dma_start3A_20] : memref<80x125xi32, #tpu.memory_space<vmem>> -> memref<1x125xi32, #tpu.memory_space<vmem>>
        %dma_start3A_22 = tpu.memref_squeeze %dma_start3A_21 : memref<1x125xi32, #tpu.memory_space<vmem>> -> memref<125xi32, #tpu.memory_space<vmem>>
        %dma_start3A_23 = arith.constant 0 : i32
        %dma_start3A_24 = arith.constant 0 : i32
        %dma_start3A_25 = tpu.memref_slice %arg10[%dma_start3A_23, %dma_start3A_24] : memref<10112x128xf32, #tpu.memory_space<vmem_shared>> -> memref<10112x128xf32, #tpu.memory_space<vmem_shared>>
        tpu.enqueue_indirect_dma source(%arg9 : memref<125x128xf32, #tpu.memory_space<vmem>>) target(%dma_start3A_25 : memref<10112x128xf32, #tpu.memory_space<vmem_shared>>) offsets(%dma_start3A_22 : memref<125xi32, #tpu.memory_space<vmem>>) semaphore(%run_scoped3A : memref<!tpu.dma_semaphore, #tpu.memory_space<semaphore_mem>>) {add = true}
        %dma_wait3A_26 = arith.constant 0 : i32
        %dma_wait3A_27 = tpu.memref_slice %arg8[%scan3A_9, %dma_wait3A_26] : memref<80x125xi32, #tpu.memory_space<vmem>> -> memref<1x125xi32, #tpu.memory_space<vmem>>
        %dma_wait3A_28 = tpu.memref_squeeze %dma_wait3A_27 : memref<1x125xi32, #tpu.memory_space<vmem>> -> memref<125xi32, #tpu.memory_space<vmem>>
        %dma_wait3A_29 = arith.constant 0 : i32
        %dma_wait3A_30 = arith.constant 0 : i32
        %dma_wait3A_31 = tpu.memref_slice %arg10[%dma_wait3A_29, %dma_wait3A_30] : memref<10112x128xf32, #tpu.memory_space<vmem_shared>> -> memref<10112x128xf32, #tpu.memory_space<vmem_shared>>
        tpu.wait_indirect_dma semaphore(%run_scoped3A : memref<!tpu.dma_semaphore, #tpu.memory_space<semaphore_mem>>) src(%arg9 : memref<125x128xf32, #tpu.memory_space<vmem>>) dst(%dma_wait3A_31 : memref<10112x128xf32, #tpu.memory_space<vmem_shared>>)
        tpu.yield
      }) : () -> ()
    }
    %scan3A_7 = arith.constant 80 : i32
    %barrier3A_8 = arith.constant 0 : index
    tpu.barrier barrier_id(%barrier3A_8)
    "tpu.region"() ({
      %run_scoped3A = tpu.sem_alloc : memref<!tpu.dma_semaphore, #tpu.memory_space<semaphore_mem>>
      %dma_start3A = arith.constant 0 : i32
      %dma_start3A_9 = tpu.memref_slice %arg6[%arg0, %mul3A_2, %dma_start3A] : memref<2x10112x128xf32, #tpu.memory_space<hbm>> -> memref<1x632x128xf32, #tpu.memory_space<hbm>>
      %dma_start3A_10 = tpu.memref_squeeze %dma_start3A_9 : memref<1x632x128xf32, #tpu.memory_space<hbm>> -> memref<632x128xf32, #tpu.memory_space<hbm>>
      %dma_start3A_11 = arith.constant 0 : i32
      %dma_start3A_12 = tpu.memref_slice %arg10[%mul3A_2, %dma_start3A_11] : memref<10112x128xf32, #tpu.memory_space<vmem_shared>> -> memref<632x128xf32, #tpu.memory_space<vmem_shared>>
      tpu.enqueue_dma source(%dma_start3A_12 : memref<632x128xf32, #tpu.memory_space<vmem_shared>>) target(%dma_start3A_10 : memref<632x128xf32, #tpu.memory_space<hbm>>) target_semaphore(%run_scoped3A : memref<!tpu.dma_semaphore, #tpu.memory_space<semaphore_mem>>)
      %dma_wait3A = arith.constant 0 : i32
      %dma_wait3A_13 = tpu.memref_slice %arg6[%arg0, %mul3A_2, %dma_wait3A] : memref<2x10112x128xf32, #tpu.memory_space<hbm>> -> memref<1x632x128xf32, #tpu.memory_space<hbm>>
      %dma_wait3A_14 = tpu.memref_squeeze %dma_wait3A_13 : memref<1x632x128xf32, #tpu.memory_space<hbm>> -> memref<632x128xf32, #tpu.memory_space<hbm>>
      %dma_wait3A_15 = arith.constant 0 : i32
      %dma_wait3A_16 = tpu.memref_slice %arg10[%mul3A_2, %dma_wait3A_15] : memref<10112x128xf32, #tpu.memory_space<vmem_shared>> -> memref<632x128xf32, #tpu.memory_space<vmem_shared>>
      tpu.wait_dma2 semaphore(%run_scoped3A : memref<!tpu.dma_semaphore, #tpu.memory_space<semaphore_mem>>) src(%dma_wait3A_16 : memref<632x128xf32, #tpu.memory_space<vmem_shared>>) dst(%dma_wait3A_14 : memref<632x128xf32, #tpu.memory_space<hbm>>)
      tpu.yield
    }) : () -> ()
    return
  }
}

#map = affine_map<(d0, d1) -> (0, 0)>
#map1 = affine_map<(d0, d1) -> (0, 0, 0)>
module attributes {stable_mosaic.version = 14 : i64} {
  func.func @_sc_prop_body(%arg0: i32, %arg1: i32, %arg2: memref<10000x128xf32, #tpu.memory_space<hbm>>, %arg3: memref<32x80x125xi32, #tpu.memory_space<hbm>>, %arg4: memref<32x80x125xi32, #tpu.memory_space<hbm>>, %arg5: memref<632x128xf32, #tpu.memory_space<hbm>>, %arg6: memref<2x10112x128xf32, #tpu.memory_space<hbm>>, %arg7: memref<80x125xi32, #tpu.memory_space<vmem>>, %arg8: memref<80x125xi32, #tpu.memory_space<vmem>>, %arg9: memref<125x128xf32, #tpu.memory_space<vmem>>, %arg10: memref<10112x128xf32, #tpu.memory_space<vmem_shared>>, %arg11: memref<!tpu.dma_semaphore, #tpu.memory_space<semaphore_mem>>) attributes {dimension_semantics = [#tpu.dimension_semantics<core_parallel>, #tpu.dimension_semantics<subcore_parallel>], iteration_bounds = array<i64: 2, 16>, scalar_prefetch = 0 : i64, scratch_operands = 5 : i64, tpu.core_type = #tpu.core_type<sc_vector_subcore>, window_params = [{transform_indices = #map}, {transform_indices = #map1}, {transform_indices = #map1}, {transform_indices = #map}, {transform_indices = #map1}]} {
    %mul3A = arith.constant 16 : i32
    %mul3A_0 = arith.muli %arg0, %mul3A : i32
    %add3A = arith.addi %mul3A_0, %arg1 : i32
    %mul3A_1 = arith.constant 632 : i32
    %mul3A_2 = arith.muli %arg1, %mul3A_1 : i32
    "tpu.region"() ({
      %run_scoped3A = tpu.sem_alloc : memref<!tpu.dma_semaphore, #tpu.memory_space<semaphore_mem>>
      %dma_start3A = arith.constant 0 : i32
      %dma_start3A_9 = tpu.memref_slice %arg10[%mul3A_2, %dma_start3A] : memref<10112x128xf32, #tpu.memory_space<vmem_shared>> -> memref<632x128xf32, #tpu.memory_space<vmem_shared>>
      tpu.enqueue_dma source(%arg5 : memref<632x128xf32, #tpu.memory_space<hbm>>) target(%dma_start3A_9 : memref<632x128xf32, #tpu.memory_space<vmem_shared>>) target_semaphore(%run_scoped3A : memref<!tpu.dma_semaphore, #tpu.memory_space<semaphore_mem>>)
      %dma_wait3A = arith.constant 0 : i32
      %dma_wait3A_10 = tpu.memref_slice %arg10[%mul3A_2, %dma_wait3A] : memref<10112x128xf32, #tpu.memory_space<vmem_shared>> -> memref<632x128xf32, #tpu.memory_space<vmem_shared>>
      tpu.wait_dma2 semaphore(%run_scoped3A : memref<!tpu.dma_semaphore, #tpu.memory_space<semaphore_mem>>) src(%arg5 : memref<632x128xf32, #tpu.memory_space<hbm>>) dst(%dma_wait3A_10 : memref<632x128xf32, #tpu.memory_space<vmem_shared>>)
      tpu.yield
    }) : () -> ()
    "tpu.region"() ({
      %run_scoped3A = tpu.sem_alloc : memref<!tpu.dma_semaphore, #tpu.memory_space<semaphore_mem>>
      %dma_start3A = arith.constant 0 : i32
      %dma_start3A_9 = arith.constant 0 : i32
      %dma_start3A_10 = tpu.memref_slice %arg3[%add3A, %dma_start3A, %dma_start3A_9] : memref<32x80x125xi32, #tpu.memory_space<hbm>> -> memref<1x80x125xi32, #tpu.memory_space<hbm>>
      %dma_start3A_11 = tpu.memref_squeeze %dma_start3A_10 : memref<1x80x125xi32, #tpu.memory_space<hbm>> -> memref<80x125xi32, #tpu.memory_space<hbm>>
      %dma_start3A_12 = arith.constant 0 : i32
      %dma_start3A_13 = arith.constant 0 : i32
      %dma_start3A_14 = tpu.memref_slice %arg3[%add3A, %dma_start3A_12, %dma_start3A_13] : memref<32x80x125xi32, #tpu.memory_space<hbm>> -> memref<1x80x125xi32, #tpu.memory_space<hbm>>
      %dma_start3A_15 = tpu.memref_squeeze %dma_start3A_14 : memref<1x80x125xi32, #tpu.memory_space<hbm>> -> memref<80x125xi32, #tpu.memory_space<hbm>>
      tpu.enqueue_dma source(%dma_start3A_15 : memref<80x125xi32, #tpu.memory_space<hbm>>) target(%arg7 : memref<80x125xi32, #tpu.memory_space<vmem>>) target_semaphore(%run_scoped3A : memref<!tpu.dma_semaphore, #tpu.memory_space<semaphore_mem>>)
      %dma_wait3A = arith.constant 0 : i32
      %dma_wait3A_16 = arith.constant 0 : i32
      %dma_wait3A_17 = tpu.memref_slice %arg3[%add3A, %dma_wait3A, %dma_wait3A_16] : memref<32x80x125xi32, #tpu.memory_space<hbm>> -> memref<1x80x125xi32, #tpu.memory_space<hbm>>
      %dma_wait3A_18 = tpu.memref_squeeze %dma_wait3A_17 : memref<1x80x125xi32, #tpu.memory_space<hbm>> -> memref<80x125xi32, #tpu.memory_space<hbm>>
      %dma_wait3A_19 = arith.constant 0 : i32
      %dma_wait3A_20 = arith.constant 0 : i32
      %dma_wait3A_21 = tpu.memref_slice %arg3[%add3A, %dma_wait3A_19, %dma_wait3A_20] : memref<32x80x125xi32, #tpu.memory_space<hbm>> -> memref<1x80x125xi32, #tpu.memory_space<hbm>>
      %dma_wait3A_22 = tpu.memref_squeeze %dma_wait3A_21 : memref<1x80x125xi32, #tpu.memory_space<hbm>> -> memref<80x125xi32, #tpu.memory_space<hbm>>
      tpu.wait_dma2 semaphore(%run_scoped3A : memref<!tpu.dma_semaphore, #tpu.memory_space<semaphore_mem>>) src(%dma_wait3A_22 : memref<80x125xi32, #tpu.memory_space<hbm>>) dst(%arg7 : memref<80x125xi32, #tpu.memory_space<vmem>>)
      tpu.yield
    }) : () -> ()
    "tpu.region"() ({
      %run_scoped3A = tpu.sem_alloc : memref<!tpu.dma_semaphore, #tpu.memory_space<semaphore_mem>>
      %dma_start3A = arith.constant 0 : i32
      %dma_start3A_9 = arith.constant 0 : i32
      %dma_start3A_10 = tpu.memref_slice %arg4[%add3A, %dma_start3A, %dma_start3A_9] : memref<32x80x125xi32, #tpu.memory_space<hbm>> -> memref<1x80x125xi32, #tpu.memory_space<hbm>>
      %dma_start3A_11 = tpu.memref_squeeze %dma_start3A_10 : memref<1x80x125xi32, #tpu.memory_space<hbm>> -> memref<80x125xi32, #tpu.memory_space<hbm>>
      %dma_start3A_12 = arith.constant 0 : i32
      %dma_start3A_13 = arith.constant 0 : i32
      %dma_start3A_14 = tpu.memref_slice %arg4[%add3A, %dma_start3A_12, %dma_start3A_13] : memref<32x80x125xi32, #tpu.memory_space<hbm>> -> memref<1x80x125xi32, #tpu.memory_space<hbm>>
      %dma_start3A_15 = tpu.memref_squeeze %dma_start3A_14 : memref<1x80x125xi32, #tpu.memory_space<hbm>> -> memref<80x125xi32, #tpu.memory_space<hbm>>
      tpu.enqueue_dma source(%dma_start3A_15 : memref<80x125xi32, #tpu.memory_space<hbm>>) target(%arg8 : memref<80x125xi32, #tpu.memory_space<vmem>>) target_semaphore(%run_scoped3A : memref<!tpu.dma_semaphore, #tpu.memory_space<semaphore_mem>>)
      %dma_wait3A = arith.constant 0 : i32
      %dma_wait3A_16 = arith.constant 0 : i32
      %dma_wait3A_17 = tpu.memref_slice %arg4[%add3A, %dma_wait3A, %dma_wait3A_16] : memref<32x80x125xi32, #tpu.memory_space<hbm>> -> memref<1x80x125xi32, #tpu.memory_space<hbm>>
      %dma_wait3A_18 = tpu.memref_squeeze %dma_wait3A_17 : memref<1x80x125xi32, #tpu.memory_space<hbm>> -> memref<80x125xi32, #tpu.memory_space<hbm>>
      %dma_wait3A_19 = arith.constant 0 : i32
      %dma_wait3A_20 = arith.constant 0 : i32
      %dma_wait3A_21 = tpu.memref_slice %arg4[%add3A, %dma_wait3A_19, %dma_wait3A_20] : memref<32x80x125xi32, #tpu.memory_space<hbm>> -> memref<1x80x125xi32, #tpu.memory_space<hbm>>
      %dma_wait3A_22 = tpu.memref_squeeze %dma_wait3A_21 : memref<1x80x125xi32, #tpu.memory_space<hbm>> -> memref<80x125xi32, #tpu.memory_space<hbm>>
      tpu.wait_dma2 semaphore(%run_scoped3A : memref<!tpu.dma_semaphore, #tpu.memory_space<semaphore_mem>>) src(%dma_wait3A_22 : memref<80x125xi32, #tpu.memory_space<hbm>>) dst(%arg8 : memref<80x125xi32, #tpu.memory_space<vmem>>)
      tpu.yield
    }) : () -> ()
    %barrier3A = arith.constant 0 : index
    tpu.barrier barrier_id(%barrier3A)
    %scan3A = arith.constant 0 : i32
    %scan3A_3 = arith.constant 0 : i32
    %scan3A_4 = arith.constant 80 : i32
    %scan3A_5 = arith.addi %scan3A_3, %scan3A_4 : i32
    %scan3A_6 = arith.constant 1 : i32
    scf.for %scan3A_9 = %scan3A_3 to %scan3A_5 step %scan3A_6  : i32 {
      %dma_start3A = arith.constant 0 : i32
      %dma_start3A_10 = tpu.memref_slice %arg7[%scan3A_9, %dma_start3A] : memref<80x125xi32, #tpu.memory_space<vmem>> -> memref<1x125xi32, #tpu.memory_space<vmem>>
      %dma_start3A_11 = tpu.memref_squeeze %dma_start3A_10 : memref<1x125xi32, #tpu.memory_space<vmem>> -> memref<125xi32, #tpu.memory_space<vmem>>
      %dma_start3A_12 = arith.constant 0 : i32
      %dma_start3A_13 = arith.constant 0 : i32
      %dma_start3A_14 = tpu.memref_slice %arg2[%dma_start3A_12, %dma_start3A_13] : memref<10000x128xf32, #tpu.memory_space<hbm>> -> memref<10000x128xf32, #tpu.memory_space<hbm>>
      tpu.enqueue_indirect_dma source(%dma_start3A_14 : memref<10000x128xf32, #tpu.memory_space<hbm>>) target(%arg9 : memref<125x128xf32, #tpu.memory_space<vmem>>) offsets(%dma_start3A_11 : memref<125xi32, #tpu.memory_space<vmem>>) semaphore(%arg11 : memref<!tpu.dma_semaphore, #tpu.memory_space<semaphore_mem>>)
      %dma_wait3A = arith.constant 0 : i32
      %dma_wait3A_15 = tpu.memref_slice %arg7[%scan3A_9, %dma_wait3A] : memref<80x125xi32, #tpu.memory_space<vmem>> -> memref<1x125xi32, #tpu.memory_space<vmem>>
      %dma_wait3A_16 = tpu.memref_squeeze %dma_wait3A_15 : memref<1x125xi32, #tpu.memory_space<vmem>> -> memref<125xi32, #tpu.memory_space<vmem>>
      %dma_wait3A_17 = arith.constant 0 : i32
      %dma_wait3A_18 = arith.constant 0 : i32
      %dma_wait3A_19 = tpu.memref_slice %arg2[%dma_wait3A_17, %dma_wait3A_18] : memref<10000x128xf32, #tpu.memory_space<hbm>> -> memref<10000x128xf32, #tpu.memory_space<hbm>>
      tpu.wait_indirect_dma semaphore(%arg11 : memref<!tpu.dma_semaphore, #tpu.memory_space<semaphore_mem>>) src(%dma_wait3A_19 : memref<10000x128xf32, #tpu.memory_space<hbm>>) dst(%arg9 : memref<125x128xf32, #tpu.memory_space<vmem>>)
      "tpu.region"() ({
        %run_scoped3A = tpu.sem_alloc : memref<!tpu.dma_semaphore, #tpu.memory_space<semaphore_mem>>
        %dma_start3A_20 = arith.constant 0 : i32
        %dma_start3A_21 = tpu.memref_slice %arg8[%scan3A_9, %dma_start3A_20] : memref<80x125xi32, #tpu.memory_space<vmem>> -> memref<1x125xi32, #tpu.memory_space<vmem>>
        %dma_start3A_22 = tpu.memref_squeeze %dma_start3A_21 : memref<1x125xi32, #tpu.memory_space<vmem>> -> memref<125xi32, #tpu.memory_space<vmem>>
        %dma_start3A_23 = arith.constant 0 : i32
        %dma_start3A_24 = arith.constant 0 : i32
        %dma_start3A_25 = tpu.memref_slice %arg10[%dma_start3A_23, %dma_start3A_24] : memref<10112x128xf32, #tpu.memory_space<vmem_shared>> -> memref<10112x128xf32, #tpu.memory_space<vmem_shared>>
        tpu.enqueue_indirect_dma source(%arg9 : memref<125x128xf32, #tpu.memory_space<vmem>>) target(%dma_start3A_25 : memref<10112x128xf32, #tpu.memory_space<vmem_shared>>) offsets(%dma_start3A_22 : memref<125xi32, #tpu.memory_space<vmem>>) semaphore(%run_scoped3A : memref<!tpu.dma_semaphore, #tpu.memory_space<semaphore_mem>>) {add = true}
        %dma_wait3A_26 = arith.constant 0 : i32
        %dma_wait3A_27 = tpu.memref_slice %arg8[%scan3A_9, %dma_wait3A_26] : memref<80x125xi32, #tpu.memory_space<vmem>> -> memref<1x125xi32, #tpu.memory_space<vmem>>
        %dma_wait3A_28 = tpu.memref_squeeze %dma_wait3A_27 : memref<1x125xi32, #tpu.memory_space<vmem>> -> memref<125xi32, #tpu.memory_space<vmem>>
        %dma_wait3A_29 = arith.constant 0 : i32
        %dma_wait3A_30 = arith.constant 0 : i32
        %dma_wait3A_31 = tpu.memref_slice %arg10[%dma_wait3A_29, %dma_wait3A_30] : memref<10112x128xf32, #tpu.memory_space<vmem_shared>> -> memref<10112x128xf32, #tpu.memory_space<vmem_shared>>
        tpu.wait_indirect_dma semaphore(%run_scoped3A : memref<!tpu.dma_semaphore, #tpu.memory_space<semaphore_mem>>) src(%arg9 : memref<125x128xf32, #tpu.memory_space<vmem>>) dst(%dma_wait3A_31 : memref<10112x128xf32, #tpu.memory_space<vmem_shared>>)
        tpu.yield
      }) : () -> ()
    }
    %scan3A_7 = arith.constant 80 : i32
    %barrier3A_8 = arith.constant 0 : index
    tpu.barrier barrier_id(%barrier3A_8)
    "tpu.region"() ({
      %run_scoped3A = tpu.sem_alloc : memref<!tpu.dma_semaphore, #tpu.memory_space<semaphore_mem>>
      %dma_start3A = arith.constant 0 : i32
      %dma_start3A_9 = tpu.memref_slice %arg6[%arg0, %mul3A_2, %dma_start3A] : memref<2x10112x128xf32, #tpu.memory_space<hbm>> -> memref<1x632x128xf32, #tpu.memory_space<hbm>>
      %dma_start3A_10 = tpu.memref_squeeze %dma_start3A_9 : memref<1x632x128xf32, #tpu.memory_space<hbm>> -> memref<632x128xf32, #tpu.memory_space<hbm>>
      %dma_start3A_11 = arith.constant 0 : i32
      %dma_start3A_12 = tpu.memref_slice %arg10[%mul3A_2, %dma_start3A_11] : memref<10112x128xf32, #tpu.memory_space<vmem_shared>> -> memref<632x128xf32, #tpu.memory_space<vmem_shared>>
      tpu.enqueue_dma source(%dma_start3A_12 : memref<632x128xf32, #tpu.memory_space<vmem_shared>>) target(%dma_start3A_10 : memref<632x128xf32, #tpu.memory_space<hbm>>) target_semaphore(%run_scoped3A : memref<!tpu.dma_semaphore, #tpu.memory_space<semaphore_mem>>)
      %dma_wait3A = arith.constant 0 : i32
      %dma_wait3A_13 = tpu.memref_slice %arg6[%arg0, %mul3A_2, %dma_wait3A] : memref<2x10112x128xf32, #tpu.memory_space<hbm>> -> memref<1x632x128xf32, #tpu.memory_space<hbm>>
      %dma_wait3A_14 = tpu.memref_squeeze %dma_wait3A_13 : memref<1x632x128xf32, #tpu.memory_space<hbm>> -> memref<632x128xf32, #tpu.memory_space<hbm>>
      %dma_wait3A_15 = arith.constant 0 : i32
      %dma_wait3A_16 = tpu.memref_slice %arg10[%mul3A_2, %dma_wait3A_15] : memref<10112x128xf32, #tpu.memory_space<vmem_shared>> -> memref<632x128xf32, #tpu.memory_space<vmem_shared>>
      tpu.wait_dma2 semaphore(%run_scoped3A : memref<!tpu.dma_semaphore, #tpu.memory_space<semaphore_mem>>) src(%dma_wait3A_16 : memref<632x128xf32, #tpu.memory_space<vmem_shared>>) dst(%dma_wait3A_14 : memref<632x128xf32, #tpu.memory_space<hbm>>)
      tpu.yield
    }) : () -> ()
    return
  }
}

module attributes {stable_mosaic.version = 14 : i64} {
  func.func @_mm0_body(%arg0: i32, %arg1: memref<1x1000x16xf32, #tpu.memory_space<vmem>>, %arg2: memref<1x1000x16xf32, #tpu.memory_space<vmem>>, %arg3: memref<1000x128xf32, #tpu.memory_space<vmem>>, %arg4: memref<128x128xf32, #tpu.memory_space<vmem>>, %arg5: memref<1000x128xf32, #tpu.memory_space<vmem>>) attributes {dimension_semantics = [#tpu.dimension_semantics<arbitrary>], iteration_bounds = array<i64: 10>, scalar_prefetch = 0 : i64, scratch_operands = 0 : i64, tpu.core_type = #tpu.core_type<tc>, window_params = [{transform_indices = @transform_0, window_bounds = array<i64: 1, 1000, 16>}, {transform_indices = @transform_1, window_bounds = array<i64: 1, 1000, 16>}, {transform_indices = @transform_2, window_bounds = array<i64: 1000, 128>}, {pipeline_mode = #tpu.pipeline_mode<synchronous>, transform_indices = @transform_3, window_bounds = array<i64: 128, 128>}, {transform_indices = @transform_4, window_bounds = array<i64: 1000, 128>}]} {
    %get3A = arith.constant 0 : index
    %get3A_0 = arith.constant 0 : index
    %get3A_1 = arith.constant 0 : index
    %get3A_2 = vector.load %arg1[%get3A, %get3A_0, %get3A_1] : memref<1x1000x16xf32, #tpu.memory_space<vmem>>, vector<1x1000x16xf32>
    %get3A_3 = vector.shape_cast %get3A_2 : vector<1x1000x16xf32> to vector<1000x16xf32>
    %slice3A = vector.extract_strided_slice %get3A_3 {offsets = [0, 0], sizes = [1000, 1], strides = [1, 1]} : vector<1000x16xf32> to vector<1000x1xf32>
    %add3A = arith.constant 1.000000e+00 : f32
    %add3A_4 = vector.broadcast %add3A : f32 to vector<1000x1xf32>
    %add3A_5 = arith.addf %add3A_4, %slice3A : vector<1000x1xf32>
    %get3A_6 = arith.constant 0 : index
    %get3A_7 = arith.constant 0 : index
    %get3A_8 = arith.constant 0 : index
    %get3A_9 = vector.load %arg2[%get3A_6, %get3A_7, %get3A_8] : memref<1x1000x16xf32, #tpu.memory_space<vmem>>, vector<1x1000x16xf32>
    %get3A_10 = vector.shape_cast %get3A_9 : vector<1x1000x16xf32> to vector<1000x16xf32>
    %slice3A_11 = vector.extract_strided_slice %get3A_10 {offsets = [0, 0], sizes = [1000, 1], strides = [1, 1]} : vector<1000x16xf32> to vector<1000x1xf32>
    %add3A_12 = arith.addf %add3A_5, %slice3A_11 : vector<1000x1xf32>
    %max3A = arith.constant 1.000000e+00 : f32
    %max3A_13 = vector.broadcast %max3A : f32 to vector<1000x1xf32>
    %max3A_14 = arith.maximumf %add3A_12, %max3A_13 : vector<1000x1xf32>
    %rsqrt3A = math.rsqrt %max3A_14 : vector<1000x1xf32>
    %get3A_15 = arith.constant 0 : index
    %get3A_16 = arith.constant 0 : index
    %get3A_17 = vector.load %arg3[%get3A_15, %get3A_16] : memref<1000x128xf32, #tpu.memory_space<vmem>>, vector<1000x128xf32>
    %get3A_18 = arith.constant 0 : index
    %get3A_19 = arith.constant 0 : index
    %get3A_20 = vector.load %arg4[%get3A_18, %get3A_19] : memref<128x128xf32, #tpu.memory_space<vmem>>, vector<128x128xf32>
    %dot_general3A = arith.constant dense<0.000000e+00> : vector<1000x128xf32>
    %dot_general3A_21 = tpu.matmul %get3A_17, %get3A_20, %dot_general3A {dimension_numbers = #tpu.dot_dimension_numbers<[1], [0], [0], [1], [0, 0, 1, 1], [], []>, transpose_lhs_hint = false} : vector<1000x128xf32>, vector<128x128xf32>, vector<1000x128xf32> -> vector<1000x128xf32>
    %mul3A = vector.broadcast %rsqrt3A : vector<1000x1xf32> to vector<1000x128xf32>
    %mul3A_22 = arith.mulf %dot_general3A_21, %mul3A : vector<1000x128xf32>
    %swap3A = arith.constant 0 : index
    %swap3A_23 = arith.constant 0 : index
    %swap3A_24 = vector.load %arg5[%swap3A, %swap3A_23] : memref<1000x128xf32, #tpu.memory_space<vmem>>, vector<1000x128xf32>
    tpu.vector_store %arg5[%swap3A, %swap3A_23], %mul3A_22 {strides = array<i32>} : memref<1000x128xf32, #tpu.memory_space<vmem>>, vector<1000x128xf32>,
    return
  }
  func.func @transform_0(%arg0: i32) -> (i32, i32, i32) {
    %c0_i32 = arith.constant 0 : i32
    %c0_i32_0 = arith.constant 0 : i32
    %c0_i32_1 = arith.constant 0 : i32
    return %c0_i32, %arg0, %c0_i32_0 : i32, i32, i32
  }
  func.func @transform_1(%arg0: i32) -> (i32, i32, i32) {
    %c1_i32 = arith.constant 1 : i32
    %c0_i32 = arith.constant 0 : i32
    %c0_i32_0 = arith.constant 0 : i32
    return %c1_i32, %arg0, %c0_i32 : i32, i32, i32
  }
  func.func @transform_2(%arg0: i32) -> (i32, i32) {
    %c0_i32 = arith.constant 0 : i32
    %c0_i32_0 = arith.constant 0 : i32
    return %arg0, %c0_i32 : i32, i32
  }
  func.func @transform_3(%arg0: i32) -> (i32, i32) {
    %c0_i32 = arith.constant 0 : i32
    %c0_i32_0 = arith.constant 0 : i32
    %c0_i32_1 = arith.constant 0 : i32
    return %c0_i32, %c0_i32_0 : i32, i32
  }
  func.func @transform_4(%arg0: i32) -> (i32, i32) {
    %c0_i32 = arith.constant 0 : i32
    %c0_i32_0 = arith.constant 0 : i32
    return %arg0, %c0_i32 : i32, i32
  }
}

module attributes {stable_mosaic.version = 14 : i64} {
  func.func @_layer_body(%arg0: i32, %arg1: memref<1x1000x16xf32, #tpu.memory_space<vmem>>, %arg2: memref<1x1000x16xf32, #tpu.memory_space<vmem>>, %arg3: memref<1x1000x128xf32, #tpu.memory_space<vmem>>, %arg4: memref<1x1000x128xf32, #tpu.memory_space<vmem>>, %arg5: memref<1000x128xf32, #tpu.memory_space<vmem>>, %arg6: memref<128x128xf32, #tpu.memory_space<vmem>>, %arg7: memref<2x128xf32, #tpu.memory_space<vmem>>, %arg8: memref<1000x128xf32, #tpu.memory_space<vmem>>) attributes {dimension_semantics = [#tpu.dimension_semantics<arbitrary>], iteration_bounds = array<i64: 10>, scalar_prefetch = 0 : i64, scratch_operands = 0 : i64, tpu.core_type = #tpu.core_type<tc>, window_params = [{transform_indices = @transform_0, window_bounds = array<i64: 1, 1000, 16>}, {transform_indices = @transform_1, window_bounds = array<i64: 1, 1000, 16>}, {transform_indices = @transform_2, window_bounds = array<i64: 1, 1000, 128>}, {transform_indices = @transform_3, window_bounds = array<i64: 1, 1000, 128>}, {transform_indices = @transform_4, window_bounds = array<i64: 1000, 128>}, {pipeline_mode = #tpu.pipeline_mode<synchronous>, transform_indices = @transform_5, window_bounds = array<i64: 128, 128>}, {pipeline_mode = #tpu.pipeline_mode<synchronous>, transform_indices = @transform_6, window_bounds = array<i64: 2, 128>}, {transform_indices = @transform_7, window_bounds = array<i64: 1000, 128>}]} {
    %get3A = arith.constant 0 : index
    %get3A_0 = arith.constant 0 : index
    %get3A_1 = arith.constant 0 : index
    %get3A_2 = vector.load %arg1[%get3A, %get3A_0, %get3A_1] : memref<1x1000x16xf32, #tpu.memory_space<vmem>>, vector<1x1000x16xf32>
    %get3A_3 = vector.shape_cast %get3A_2 : vector<1x1000x16xf32> to vector<1000x16xf32>
    %slice3A = vector.extract_strided_slice %get3A_3 {offsets = [0, 0], sizes = [1000, 1], strides = [1, 1]} : vector<1000x16xf32> to vector<1000x1xf32>
    %add3A = arith.constant 1.000000e+00 : f32
    %add3A_4 = vector.broadcast %add3A : f32 to vector<1000x1xf32>
    %add3A_5 = arith.addf %add3A_4, %slice3A : vector<1000x1xf32>
    %get3A_6 = arith.constant 0 : index
    %get3A_7 = arith.constant 0 : index
    %get3A_8 = arith.constant 0 : index
    %get3A_9 = vector.load %arg2[%get3A_6, %get3A_7, %get3A_8] : memref<1x1000x16xf32, #tpu.memory_space<vmem>>, vector<1x1000x16xf32>
    %get3A_10 = vector.shape_cast %get3A_9 : vector<1x1000x16xf32> to vector<1000x16xf32>
    %slice3A_11 = vector.extract_strided_slice %get3A_10 {offsets = [0, 0], sizes = [1000, 1], strides = [1, 1]} : vector<1000x16xf32> to vector<1000x1xf32>
    %add3A_12 = arith.addf %add3A_5, %slice3A_11 : vector<1000x1xf32>
    %max3A = arith.constant 1.000000e+00 : f32
    %max3A_13 = vector.broadcast %max3A : f32 to vector<1000x1xf32>
    %max3A_14 = arith.maximumf %add3A_12, %max3A_13 : vector<1000x1xf32>
    %rsqrt3A = math.rsqrt %max3A_14 : vector<1000x1xf32>
    %get3A_15 = arith.constant 0 : index
    %get3A_16 = arith.constant 0 : index
    %get3A_17 = arith.constant 0 : index
    %get3A_18 = vector.load %arg3[%get3A_15, %get3A_16, %get3A_17] : memref<1x1000x128xf32, #tpu.memory_space<vmem>>, vector<1x1000x128xf32>
    %get3A_19 = vector.shape_cast %get3A_18 : vector<1x1000x128xf32> to vector<1000x128xf32>
    %get3A_20 = arith.constant 0 : index
    %get3A_21 = arith.constant 0 : index
    %get3A_22 = arith.constant 0 : index
    %get3A_23 = vector.load %arg4[%get3A_20, %get3A_21, %get3A_22] : memref<1x1000x128xf32, #tpu.memory_space<vmem>>, vector<1x1000x128xf32>
    %get3A_24 = vector.shape_cast %get3A_23 : vector<1x1000x128xf32> to vector<1000x128xf32>
    %add3A_25 = arith.addf %get3A_19, %get3A_24 : vector<1000x128xf32>
    %get3A_26 = arith.constant 0 : index
    %get3A_27 = arith.constant 0 : index
    %get3A_28 = vector.load %arg5[%get3A_26, %get3A_27] : memref<1000x128xf32, #tpu.memory_space<vmem>>, vector<1000x128xf32>
    %add3A_29 = arith.addf %add3A_25, %get3A_28 : vector<1000x128xf32>
    %mul3A = vector.broadcast %rsqrt3A : vector<1000x1xf32> to vector<1000x128xf32>
    %mul3A_30 = arith.mulf %mul3A, %add3A_29 : vector<1000x128xf32>
    %get3A_31 = arith.constant 0 : index
    %get3A_32 = arith.constant 0 : index
    %get3A_33 = vector.load %arg7[%get3A_31, %get3A_32] : memref<2x128xf32, #tpu.memory_space<vmem>>, vector<1x128xf32>
    %mul3A_34 = vector.broadcast %get3A_33 : vector<1x128xf32> to vector<1000x128xf32>
    %mul3A_35 = arith.mulf %mul3A_34, %mul3A_30 : vector<1000x128xf32>
    %get3A_36 = arith.constant 1 : index
    %get3A_37 = arith.constant 0 : index
    %get3A_38 = vector.load %arg7[%get3A_36, %get3A_37] : memref<2x128xf32, #tpu.memory_space<vmem>>, vector<1x128xf32>
    %add3A_39 = vector.broadcast %get3A_38 : vector<1x128xf32> to vector<1000x128xf32>
    %add3A_40 = arith.addf %mul3A_35, %add3A_39 : vector<1000x128xf32>
    %max3A_41 = arith.constant 0.000000e+00 : f32
    %max3A_42 = vector.broadcast %max3A_41 : f32 to vector<1000x128xf32>
    %max3A_43 = arith.maximumf %add3A_40, %max3A_42 : vector<1000x128xf32>
    %get3A_44 = arith.constant 0 : index
    %get3A_45 = arith.constant 0 : index
    %get3A_46 = vector.load %arg6[%get3A_44, %get3A_45] : memref<128x128xf32, #tpu.memory_space<vmem>>, vector<128x128xf32>
    %dot_general3A = arith.constant dense<0.000000e+00> : vector<1000x128xf32>
    %dot_general3A_47 = tpu.matmul %max3A_43, %get3A_46, %dot_general3A {dimension_numbers = #tpu.dot_dimension_numbers<[1], [0], [0], [1], [0, 0, 1, 1], [], []>, transpose_lhs_hint = false} : vector<1000x128xf32>, vector<128x128xf32>, vector<1000x128xf32> -> vector<1000x128xf32>
    %mul3A_48 = vector.broadcast %rsqrt3A : vector<1000x1xf32> to vector<1000x128xf32>
    %mul3A_49 = arith.mulf %dot_general3A_47, %mul3A_48 : vector<1000x128xf32>
    %swap3A = arith.constant 0 : index
    %swap3A_50 = arith.constant 0 : index
    %swap3A_51 = vector.load %arg8[%swap3A, %swap3A_50] : memref<1000x128xf32, #tpu.memory_space<vmem>>, vector<1000x128xf32>
    tpu.vector_store %arg8[%swap3A, %swap3A_50], %mul3A_49 {strides = array<i32>} : memref<1000x128xf32, #tpu.memory_space<vmem>>, vector<1000x128xf32>,
    return
  }
  func.func @transform_0(%arg0: i32) -> (i32, i32, i32) {
    %c0_i32 = arith.constant 0 : i32
    %c0_i32_0 = arith.constant 0 : i32
    %c0_i32_1 = arith.constant 0 : i32
    return %c0_i32, %arg0, %c0_i32_0 : i32, i32, i32
  }
  func.func @transform_1(%arg0: i32) -> (i32, i32, i32) {
    %c1_i32 = arith.constant 1 : i32
    %c0_i32 = arith.constant 0 : i32
    %c0_i32_0 = arith.constant 0 : i32
    return %c1_i32, %arg0, %c0_i32 : i32, i32, i32
  }
  func.func @transform_2(%arg0: i32) -> (i32, i32, i32) {
    %c0_i32 = arith.constant 0 : i32
    %c0_i32_0 = arith.constant 0 : i32
    %c0_i32_1 = arith.constant 0 : i32
    return %c0_i32, %arg0, %c0_i32_0 : i32, i32, i32
  }
  func.func @transform_3(%arg0: i32) -> (i32, i32, i32) {
    %c1_i32 = arith.constant 1 : i32
    %c0_i32 = arith.constant 0 : i32
    %c0_i32_0 = arith.constant 0 : i32
    return %c1_i32, %arg0, %c0_i32 : i32, i32, i32
  }
  func.func @transform_4(%arg0: i32) -> (i32, i32) {
    %c0_i32 = arith.constant 0 : i32
    %c0_i32_0 = arith.constant 0 : i32
    return %arg0, %c0_i32 : i32, i32
  }
  func.func @transform_5(%arg0: i32) -> (i32, i32) {
    %c0_i32 = arith.constant 0 : i32
    %c0_i32_0 = arith.constant 0 : i32
    %c0_i32_1 = arith.constant 0 : i32
    return %c0_i32, %c0_i32_0 : i32, i32
  }
  func.func @transform_6(%arg0: i32) -> (i32, i32) {
    %c0_i32 = arith.constant 0 : i32
    %c0_i32_0 = arith.constant 0 : i32
    %c0_i32_1 = arith.constant 0 : i32
    return %c0_i32, %c0_i32_0 : i32, i32
  }
  func.func @transform_7(%arg0: i32) -> (i32, i32) {
    %c0_i32 = arith.constant 0 : i32
    %c0_i32_0 = arith.constant 0 : i32
    return %arg0, %c0_i32 : i32, i32
  }
}

module attributes {stable_mosaic.version = 14 : i64} {
  func.func @_head_body(%arg0: i32, %arg1: memref<1x1000x16xf32, #tpu.memory_space<vmem>>, %arg2: memref<1x1000x16xf32, #tpu.memory_space<vmem>>, %arg3: memref<1x1000x128xf32, #tpu.memory_space<vmem>>, %arg4: memref<1x1000x128xf32, #tpu.memory_space<vmem>>, %arg5: memref<1000x128xf32, #tpu.memory_space<vmem>>, %arg6: memref<1000x1xi32, #tpu.memory_space<vmem>>, %arg7: memref<2x128xf32, #tpu.memory_space<vmem>>, %arg8: memref<128x64xf32, #tpu.memory_space<vmem>>, %arg9: memref<1x64xf32, #tpu.memory_space<vmem>>, %arg10: memref<64x10xf32, #tpu.memory_space<vmem>>, %arg11: memref<1x10xf32, #tpu.memory_space<vmem>>, %arg12: memref<64x10xf32, #tpu.memory_space<vmem>>, %arg13: memref<64x128xf32, #tpu.memory_space<vmem>>, %arg14: memref<64x128xf32, #tpu.memory_space<vmem>>) attributes {dimension_semantics = [#tpu.dimension_semantics<arbitrary>], iteration_bounds = array<i64: 10>, scalar_prefetch = 0 : i64, scratch_operands = 2 : i64, tpu.core_type = #tpu.core_type<tc>, window_params = [{transform_indices = @transform_0, window_bounds = array<i64: 1, 1000, 16>}, {transform_indices = @transform_1, window_bounds = array<i64: 1, 1000, 16>}, {transform_indices = @transform_2, window_bounds = array<i64: 1, 1000, 128>}, {transform_indices = @transform_3, window_bounds = array<i64: 1, 1000, 128>}, {transform_indices = @transform_4, window_bounds = array<i64: 1000, 128>}, {transform_indices = @transform_5, window_bounds = array<i64: 1000, 1>}, {pipeline_mode = #tpu.pipeline_mode<synchronous>, transform_indices = @transform_6, window_bounds = array<i64: 2, 128>}, {pipeline_mode = #tpu.pipeline_mode<synchronous>, transform_indices = @transform_7, window_bounds = array<i64: 128, 64>}, {pipeline_mode = #tpu.pipeline_mode<synchronous>, transform_indices = @transform_8, window_bounds = array<i64: 1, 64>}, {pipeline_mode = #tpu.pipeline_mode<synchronous>, transform_indices = @transform_9, window_bounds = array<i64: 64, 10>}, {pipeline_mode = #tpu.pipeline_mode<synchronous>, transform_indices = @transform_10, window_bounds = array<i64: 1, 10>}, {pipeline_mode = #tpu.pipeline_mode<synchronous>, transform_indices = @transform_11, window_bounds = array<i64: 64, 10>}]} {
    %eq3A = arith.constant 0 : i32
    %eq3A_0 = arith.cmpi eq, %arg0, %eq3A : i32
    %convert_element_type3A = arith.extui %eq3A_0 : i1 to i32
    %cond3A = arith.constant 0 : i32
    %cond3A_1 = arith.cmpi ne, %convert_element_type3A, %cond3A : i32
    scf.if %cond3A_1 {
      %broadcast_in_dim3A_74 = arith.constant 0.000000e+00 : f32
      %broadcast_in_dim3A_75 = vector.broadcast %broadcast_in_dim3A_74 : f32 to vector<64x128xf32>
      %swap3A_76 = arith.constant 0 : index
      %swap3A_77 = arith.constant 0 : index
      %swap3A_78 = vector.load %arg13[%swap3A_76, %swap3A_77] : memref<64x128xf32, #tpu.memory_space<vmem>>, vector<64x128xf32>
      tpu.vector_store %arg13[%swap3A_76, %swap3A_77], %broadcast_in_dim3A_75 {strides = array<i32>} : memref<64x128xf32, #tpu.memory_space<vmem>>, vector<64x128xf32>,
      %broadcast_in_dim3A_79 = arith.constant 0.000000e+00 : f32
      %broadcast_in_dim3A_80 = vector.broadcast %broadcast_in_dim3A_79 : f32 to vector<64x128xf32>
      %swap3A_81 = arith.constant 0 : index
      %swap3A_82 = arith.constant 0 : index
      %swap3A_83 = vector.load %arg14[%swap3A_81, %swap3A_82] : memref<64x128xf32, #tpu.memory_space<vmem>>, vector<64x128xf32>
      tpu.vector_store %arg14[%swap3A_81, %swap3A_82], %broadcast_in_dim3A_80 {strides = array<i32>} : memref<64x128xf32, #tpu.memory_space<vmem>>, vector<64x128xf32>,
    } else {
    }
    %get3A = arith.constant 0 : index
    %get3A_2 = arith.constant 0 : index
    %get3A_3 = arith.constant 0 : index
    %get3A_4 = vector.load %arg1[%get3A, %get3A_2, %get3A_3] : memref<1x1000x16xf32, #tpu.memory_space<vmem>>, vector<1x1000x16xf32>
    %get3A_5 = vector.shape_cast %get3A_4 : vector<1x1000x16xf32> to vector<1000x16xf32>
    %slice3A = vector.extract_strided_slice %get3A_5 {offsets = [0, 0], sizes = [1000, 1], strides = [1, 1]} : vector<1000x16xf32> to vector<1000x1xf32>
    %add3A = arith.constant 1.000000e+00 : f32
    %add3A_6 = vector.broadcast %add3A : f32 to vector<1000x1xf32>
    %add3A_7 = arith.addf %add3A_6, %slice3A : vector<1000x1xf32>
    %get3A_8 = arith.constant 0 : index
    %get3A_9 = arith.constant 0 : index
    %get3A_10 = arith.constant 0 : index
    %get3A_11 = vector.load %arg2[%get3A_8, %get3A_9, %get3A_10] : memref<1x1000x16xf32, #tpu.memory_space<vmem>>, vector<1x1000x16xf32>
    %get3A_12 = vector.shape_cast %get3A_11 : vector<1x1000x16xf32> to vector<1000x16xf32>
    %slice3A_13 = vector.extract_strided_slice %get3A_12 {offsets = [0, 0], sizes = [1000, 1], strides = [1, 1]} : vector<1000x16xf32> to vector<1000x1xf32>
    %add3A_14 = arith.addf %add3A_7, %slice3A_13 : vector<1000x1xf32>
    %max3A = arith.constant 1.000000e+00 : f32
    %max3A_15 = vector.broadcast %max3A : f32 to vector<1000x1xf32>
    %max3A_16 = arith.maximumf %add3A_14, %max3A_15 : vector<1000x1xf32>
    %rsqrt3A = math.rsqrt %max3A_16 : vector<1000x1xf32>
    %get3A_17 = arith.constant 0 : index
    %get3A_18 = arith.constant 0 : index
    %get3A_19 = arith.constant 0 : index
    %get3A_20 = vector.load %arg3[%get3A_17, %get3A_18, %get3A_19] : memref<1x1000x128xf32, #tpu.memory_space<vmem>>, vector<1x1000x128xf32>
    %get3A_21 = vector.shape_cast %get3A_20 : vector<1x1000x128xf32> to vector<1000x128xf32>
    %get3A_22 = arith.constant 0 : index
    %get3A_23 = arith.constant 0 : index
    %get3A_24 = arith.constant 0 : index
    %get3A_25 = vector.load %arg4[%get3A_22, %get3A_23, %get3A_24] : memref<1x1000x128xf32, #tpu.memory_space<vmem>>, vector<1x1000x128xf32>
    %get3A_26 = vector.shape_cast %get3A_25 : vector<1x1000x128xf32> to vector<1000x128xf32>
    %add3A_27 = arith.addf %get3A_21, %get3A_26 : vector<1000x128xf32>
    %get3A_28 = arith.constant 0 : index
    %get3A_29 = arith.constant 0 : index
    %get3A_30 = vector.load %arg5[%get3A_28, %get3A_29] : memref<1000x128xf32, #tpu.memory_space<vmem>>, vector<1000x128xf32>
    %add3A_31 = arith.addf %add3A_27, %get3A_30 : vector<1000x128xf32>
    %mul3A = vector.broadcast %rsqrt3A : vector<1000x1xf32> to vector<1000x128xf32>
    %mul3A_32 = arith.mulf %mul3A, %add3A_31 : vector<1000x128xf32>
    %get3A_33 = arith.constant 0 : index
    %get3A_34 = arith.constant 0 : index
    %get3A_35 = vector.load %arg7[%get3A_33, %get3A_34] : memref<2x128xf32, #tpu.memory_space<vmem>>, vector<1x128xf32>
    %mul3A_36 = vector.broadcast %get3A_35 : vector<1x128xf32> to vector<1000x128xf32>
    %mul3A_37 = arith.mulf %mul3A_36, %mul3A_32 : vector<1000x128xf32>
    %get3A_38 = arith.constant 1 : index
    %get3A_39 = arith.constant 0 : index
    %get3A_40 = vector.load %arg7[%get3A_38, %get3A_39] : memref<2x128xf32, #tpu.memory_space<vmem>>, vector<1x128xf32>
    %add3A_41 = vector.broadcast %get3A_40 : vector<1x128xf32> to vector<1000x128xf32>
    %add3A_42 = arith.addf %mul3A_37, %add3A_41 : vector<1000x128xf32>
    %max3A_43 = arith.constant 0.000000e+00 : f32
    %max3A_44 = vector.broadcast %max3A_43 : f32 to vector<1000x128xf32>
    %max3A_45 = arith.maximumf %add3A_42, %max3A_44 : vector<1000x128xf32>
    %get3A_46 = arith.constant 0 : index
    %get3A_47 = arith.constant 0 : index
    %get3A_48 = vector.load %arg6[%get3A_46, %get3A_47] : memref<1000x1xi32, #tpu.memory_space<vmem>>, vector<1000x1xi32>
    %iota3A = tpu.iota {dimensions = array<i32: 1>} : vector<1000x64xi32>
    %eq3A_49 = vector.broadcast %get3A_48 : vector<1000x1xi32> to vector<1000x64xi32>
    %eq3A_50 = arith.cmpi eq, %eq3A_49, %iota3A : vector<1000x64xi32>
    %convert_element_type3A_51 = arith.extui %eq3A_50 : vector<1000x64xi1> to vector<1000x64xi32>
    %convert_element_type3A_52 = arith.sitofp %convert_element_type3A_51 : vector<1000x64xi32> to vector<1000x64xf32>
    %get3A_53 = arith.constant 0 : index
    %get3A_54 = arith.constant 0 : index
    %get3A_55 = vector.load %arg13[%get3A_53, %get3A_54] : memref<64x128xf32, #tpu.memory_space<vmem>>, vector<64x128xf32>
    %dot_general3A = arith.constant dense<0.000000e+00> : vector<64x128xf32>
    %dot_general3A_56 = tpu.matmul %convert_element_type3A_52, %max3A_45, %dot_general3A {dimension_numbers = #tpu.dot_dimension_numbers<[0], [0], [1], [1], [0, 1, 1, 1], [], []>, transpose_lhs_hint = false} : vector<1000x64xf32>, vector<1000x128xf32>, vector<64x128xf32> -> vector<64x128xf32>
    %add3A_57 = arith.addf %get3A_55, %dot_general3A_56 : vector<64x128xf32>
    %swap3A = arith.constant 0 : index
    %swap3A_58 = arith.constant 0 : index
    %swap3A_59 = vector.load %arg13[%swap3A, %swap3A_58] : memref<64x128xf32, #tpu.memory_space<vmem>>, vector<64x128xf32>
    tpu.vector_store %arg13[%swap3A, %swap3A_58], %add3A_57 {strides = array<i32>} : memref<64x128xf32, #tpu.memory_space<vmem>>, vector<64x128xf32>,
    %get3A_60 = arith.constant 0 : index
    %get3A_61 = arith.constant 0 : index
    %get3A_62 = vector.load %arg14[%get3A_60, %get3A_61] : memref<64x128xf32, #tpu.memory_space<vmem>>, vector<64x128xf32>
    %reduce_sum3A = arith.constant dense<0.000000e+00> : vector<64xf32>
    %reduce_sum3A_63 = vector.multi_reduction <add>, %convert_element_type3A_52, %reduce_sum3A [0] : vector<1000x64xf32> to vector<64xf32>
    %broadcast_in_dim3A = vector.shape_cast %reduce_sum3A_63 : vector<64xf32> to vector<64x1xf32>
    %add3A_64 = vector.broadcast %broadcast_in_dim3A : vector<64x1xf32> to vector<64x128xf32>
    %add3A_65 = arith.addf %get3A_62, %add3A_64 : vector<64x128xf32>
    %swap3A_66 = arith.constant 0 : index
    %swap3A_67 = arith.constant 0 : index
    %swap3A_68 = vector.load %arg14[%swap3A_66, %swap3A_67] : memref<64x128xf32, #tpu.memory_space<vmem>>, vector<64x128xf32>
    tpu.vector_store %arg14[%swap3A_66, %swap3A_67], %add3A_65 {strides = array<i32>} : memref<64x128xf32, #tpu.memory_space<vmem>>, vector<64x128xf32>,
    %eq3A_69 = arith.constant 9 : i32
    %eq3A_70 = arith.cmpi eq, %arg0, %eq3A_69 : i32
    %convert_element_type3A_71 = arith.extui %eq3A_70 : i1 to i32
    %cond3A_72 = arith.constant 0 : i32
    %cond3A_73 = arith.cmpi ne, %convert_element_type3A_71, %cond3A_72 : i32
    scf.if %cond3A_73 {
      %get3A_74 = arith.constant 0 : index
      %get3A_75 = arith.constant 0 : index
      %get3A_76 = vector.load %arg13[%get3A_74, %get3A_75] : memref<64x128xf32, #tpu.memory_space<vmem>>, vector<64x128xf32>
      %get3A_77 = arith.constant 0 : index
      %get3A_78 = arith.constant 0 : index
      %get3A_79 = vector.load %arg14[%get3A_77, %get3A_78] : memref<64x128xf32, #tpu.memory_space<vmem>>, vector<64x128xf32>
      %max3A_80 = arith.constant 1.000000e+00 : f32
      %max3A_81 = vector.broadcast %max3A_80 : f32 to vector<64x128xf32>
      %max3A_82 = arith.maximumf %get3A_79, %max3A_81 : vector<64x128xf32>
      %div3A = arith.divf %get3A_76, %max3A_82 : vector<64x128xf32>
      %get3A_83 = arith.constant 0 : index
      %get3A_84 = arith.constant 0 : index
      %get3A_85 = vector.load %arg8[%get3A_83, %get3A_84] : memref<128x64xf32, #tpu.memory_space<vmem>>, vector<128x64xf32>
      %dot_general3A_86 = arith.constant dense<0.000000e+00> : vector<64x64xf32>
      %dot_general3A_87 = tpu.matmul %div3A, %get3A_85, %dot_general3A_86 {dimension_numbers = #tpu.dot_dimension_numbers<[1], [0], [0], [1], [0, 0, 1, 1], [], []>, transpose_lhs_hint = false} : vector<64x128xf32>, vector<128x64xf32>, vector<64x64xf32> -> vector<64x64xf32>
      %get3A_88 = arith.constant 0 : index
      %get3A_89 = arith.constant 0 : index
      %get3A_90 = vector.load %arg9[%get3A_88, %get3A_89] : memref<1x64xf32, #tpu.memory_space<vmem>>, vector<1x64xf32>
      %add3A_91 = vector.broadcast %get3A_90 : vector<1x64xf32> to vector<64x64xf32>
      %add3A_92 = arith.addf %dot_general3A_87, %add3A_91 : vector<64x64xf32>
      %max3A_93 = arith.constant 0.000000e+00 : f32
      %max3A_94 = vector.broadcast %max3A_93 : f32 to vector<64x64xf32>
      %max3A_95 = arith.maximumf %add3A_92, %max3A_94 : vector<64x64xf32>
      %get3A_96 = arith.constant 0 : index
      %get3A_97 = arith.constant 0 : index
      %get3A_98 = vector.load %arg10[%get3A_96, %get3A_97] : memref<64x10xf32, #tpu.memory_space<vmem>>, vector<64x10xf32>
      %dot_general3A_99 = arith.constant dense<0.000000e+00> : vector<64x10xf32>
      %dot_general3A_100 = tpu.matmul %max3A_95, %get3A_98, %dot_general3A_99 {dimension_numbers = #tpu.dot_dimension_numbers<[1], [0], [0], [1], [0, 0, 1, 1], [], []>, transpose_lhs_hint = false} : vector<64x64xf32>, vector<64x10xf32>, vector<64x10xf32> -> vector<64x10xf32>
      %get3A_101 = arith.constant 0 : index
      %get3A_102 = arith.constant 0 : index
      %get3A_103 = vector.load %arg11[%get3A_101, %get3A_102] : memref<1x10xf32, #tpu.memory_space<vmem>>, vector<1x10xf32>
      %add3A_104 = vector.broadcast %get3A_103 : vector<1x10xf32> to vector<64x10xf32>
      %add3A_105 = arith.addf %dot_general3A_100, %add3A_104 : vector<64x10xf32>
      %swap3A_106 = arith.constant 0 : index
      %swap3A_107 = arith.constant 0 : index
      %swap3A_108 = vector.load %arg12[%swap3A_106, %swap3A_107] : memref<64x10xf32, #tpu.memory_space<vmem>>, vector<64x10xf32>
      tpu.vector_store %arg12[%swap3A_106, %swap3A_107], %add3A_105 {strides = array<i32>} : memref<64x10xf32, #tpu.memory_space<vmem>>, vector<64x10xf32>,
    } else {
    }
    return
  }
  func.func @transform_0(%arg0: i32) -> (i32, i32, i32) {
    %c0_i32 = arith.constant 0 : i32
    %c0_i32_0 = arith.constant 0 : i32
    %c0_i32_1 = arith.constant 0 : i32
    return %c0_i32, %arg0, %c0_i32_0 : i32, i32, i32
  }
  func.func @transform_1(%arg0: i32) -> (i32, i32, i32) {
    %c1_i32 = arith.constant 1 : i32
    %c0_i32 = arith.constant 0 : i32
    %c0_i32_0 = arith.constant 0 : i32
    return %c1_i32, %arg0, %c0_i32 : i32, i32, i32
  }
  func.func @transform_2(%arg0: i32) -> (i32, i32, i32) {
    %c0_i32 = arith.constant 0 : i32
    %c0_i32_0 = arith.constant 0 : i32
    %c0_i32_1 = arith.constant 0 : i32
    return %c0_i32, %arg0, %c0_i32_0 : i32, i32, i32
  }
  func.func @transform_3(%arg0: i32) -> (i32, i32, i32) {
    %c1_i32 = arith.constant 1 : i32
    %c0_i32 = arith.constant 0 : i32
    %c0_i32_0 = arith.constant 0 : i32
    return %c1_i32, %arg0, %c0_i32 : i32, i32, i32
  }
  func.func @transform_4(%arg0: i32) -> (i32, i32) {
    %c0_i32 = arith.constant 0 : i32
    %c0_i32_0 = arith.constant 0 : i32
    return %arg0, %c0_i32 : i32, i32
  }
  func.func @transform_5(%arg0: i32) -> (i32, i32) {
    %c0_i32 = arith.constant 0 : i32
    %c0_i32_0 = arith.constant 0 : i32
    return %arg0, %c0_i32 : i32, i32
  }
  func.func @transform_6(%arg0: i32) -> (i32, i32) {
    %c0_i32 = arith.constant 0 : i32
    %c0_i32_0 = arith.constant 0 : i32
    %c0_i32_1 = arith.constant 0 : i32
    return %c0_i32, %c0_i32_0 : i32, i32
  }
  func.func @transform_7(%arg0: i32) -> (i32, i32) {
    %c0_i32 = arith.constant 0 : i32
    %c0_i32_0 = arith.constant 0 : i32
    %c0_i32_1 = arith.constant 0 : i32
    return %c0_i32, %c0_i32_0 : i32, i32
  }
  func.func @transform_8(%arg0: i32) -> (i32, i32) {
    %c0_i32 = arith.constant 0 : i32
    %c0_i32_0 = arith.constant 0 : i32
    %c0_i32_1 = arith.constant 0 : i32
    return %c0_i32, %c0_i32_0 : i32, i32
  }
  func.func @transform_9(%arg0: i32) -> (i32, i32) {
    %c0_i32 = arith.constant 0 : i32
    %c0_i32_0 = arith.constant 0 : i32
    %c0_i32_1 = arith.constant 0 : i32
    return %c0_i32, %c0_i32_0 : i32, i32
  }
  func.func @transform_10(%arg0: i32) -> (i32, i32) {
    %c0_i32 = arith.constant 0 : i32
    %c0_i32_0 = arith.constant 0 : i32
    %c0_i32_1 = arith.constant 0 : i32
    return %c0_i32, %c0_i32_0 : i32, i32
  }
  func.func @transform_11(%arg0: i32) -> (i32, i32) {
    %c0_i32 = arith.constant 0 : i32
    %c0_i32_0 = arith.constant 0 : i32
    %c0_i32_1 = arith.constant 0 : i32
    return %c0_i32, %c0_i32_0 : i32, i32
  }
}

</mosaic_0001>

<sc_bundles>
// kernel: kernel.10.cloned.1.call-start
scs
__scs_entry_jumppad:
0x0: {  	(pc) =	sbr.rel $0x88, $3  }
0x1: {  	(tag) =	ssettag $0x0;
	lr =	simm.s32 $0x1  }
0x2: {  	[smem:$0x3F8E] =	sst lr;
	_ =	strace $0xD0000000  }
0x3: {  	_ = 	snop  }
0x4: {  	_ = 	snop  }
0x5: {  	_ = 	snop  }
0x6: {  	_ = 	snop  }
0x7: {  	_ = 	snop  }
__scs_overlays_trampoline_lowered:
0x8: {  	[smem:$0x3F9D] =	sst s0  }
0x9: {  	[smem:$0x3F9E] =	sst s1  }
0xa: {  	[smem:$0x3F9F] =	sst s2  }
0xb: {  	[smem:$0x3FA0] =	sst s3  }
0xc: {  	[smem:$0x3FA1] =	sst s4  }
0xd: {  	[smem:$0x3FA2] =	sst s5  }
0xe: {  	[smem:$0x3FA3] =	sst s6  }
0xf: {  	[smem:$0x3FA4] =	sst s7  }
0x10: {  	[smem:$0x3FA5] =	sst s8  }
0x11: {  	[smem:$0x3FA6] =	sst s9;
	s0 =	simm.s32 @!p0 $0x0  }
0x12: {  	s1 =	sld [smem:$0x3F8C];
	s0 =	simm.s32 @p0 $0x1  }
0x13: {  	[smem:$0x3FA7] =	sst s0;
	s0 =	simm.s32 @!p1 $0x0  }
0x14: {  	s2 =	sld [smem:$0x3F8B];
	s0 =	simm.s32 @p1 $0x1  }
0x15: {  	[smem:$0x3FA8] =	sst s0;
	s0 =	simm.s32 @!p2 $0x0  }
0x16: {  	s3 =	sld [smem:$0x3FDB];
	s0 =	simm.s32 @p2 $0x1  }
0x17: {  	s4 =	simm.s32 $0x1BF5;
	[smem:$0x3FAA] =	sst s0  }
0x18: {  	s0 =	sld [smem:$0x3F8D];
	_ =	swait.ge [sflag:s4], $0x0  }
0x19: {  	s7 =	sld [smem:$0x3F8E]  }
0x1a: {  	s8 =	sadd.s32 $0xFFFFE003, lr  }
0x1b: {  	s9 =	sadd.s32 $0xFFFFFEF7, lr;
	s5 =	simm.s32 $0xFFFFFFFF;
	p2 =	slt.u32 s8, $0xFFFFF086  }
0x1c: {  	p1 =	slt.u32 s9, $0xF7A;
	s5 =	simm.s32 @!p2 $0x0  }
0x1d: {  	s5 =	simm.s32 @p1 $0x1;
	p0 =	seq.s32 s7, s2  }
0x1e: {  	s7 =	smul.u32 @!p0 $0xF7A, s2;
	p2 =	seq.s32 @!p0 s5, $0x0  }
0x1f: {  	s9 =	smul.u32 $0xF7A, s1;
	s8 =	simm.s32 @!p0 $0x1BF5;
	p2 =	por !p2, p0  }
0x20: {  	[sflag:s8] =	ssyncset.s32 @!p0 $0xFFFFF086;
	s6 =	sadd.s32 @!p0 s3, s7;
	s7 =	simm.s32 @!p0 $0x108  }
0x21: {  	s3 =	sadd.s32 s3, s9;
	s6 =	sadd.s32 @!p0 $0x88, s6;
	s7 =	simm.s32 @p2 $0x1082  }
0x22: {  	[simem:s7], [sflag:s8] =	dma.local @!p0 [hbm:s6], $0xF7A  }
0x23: {  	s9 =	sor.u32 $0xD0000000, s2;
	s6 =	simm.s32 $0x108;
	_ =	swait.ge @!p0 [sflag:s8], $0x0  }
0x24: {  	s3 =	sadd.s32 $0x88, s3;
	s6 =	simm.s32 @!p1 $0x1082;
	[sflag:s4] =	ssyncset.s32 $0xFFFFF086  }
0x25: {  	[simem:s6], [sflag:s4] =	dma.local [hbm:s3], $0xF7A  }
0x26: {  	[smem:$0x3F8E] =	sst s1;
	(tag) =	ssettag s2;
	_ =	strace s9  }
0x27: {  	s1 =	sld [smem:$0x3F9E]  }
0x28: {  	s2 =	sld [smem:$0x3F9F]  }
0x29: {  	s4 =	sld [smem:$0x3FA1]  }
0x2a: {  	p0 =	seq.s32 s5, $0x0;
	s5 =	sld [smem:$0x3FA2]  }
0x2b: {  	s6 =	sld [smem:$0x3FA3]  }
0x2c: {  	s7 =	sld [smem:$0x3FA4]  }
0x2d: {  	s3 =	simm.s32 $0x108;
	s8 =	sld [smem:$0x3FA5]  }
0x2e: {  	s3 =	simm.s32 @!p0 $0x1082;
	s9 =	sld [smem:$0x3FA6]  }
0x2f: {  	lr =	sadd.s32 s0, s3;
	s0 =	sld [smem:$0x3F9D]  }
0x30: {  	s3 =	sld [smem:$0x3FA0]  }
0x31: {  	[smem:$0x3FA9] =	sst s10  }
0x32: {  	s10 =	sld [smem:$0x3FA7];
	_ =	sdelay $0x3  }
0x33: {  	p0 =	seq.s32 s10, $0x1;
	s10 =	sld [smem:$0x3FA9];
	_ =	sdelay $0x3  }
0x34: {  	[smem:$0x3FA9] =	sst s10  }
0x35: {  	s10 =	sld [smem:$0x3FA8];
	_ =	sdelay $0x3  }
0x36: {  	p1 =	seq.s32 s10, $0x1;
	s10 =	sld [smem:$0x3FA9];
	_ =	sdelay $0x3  }
0x37: {  	[smem:$0x3FA9] =	sst s10  }
0x38: {  	s10 =	sld [smem:$0x3FAA]  }
0x39: {  	_ = 	snop;
	(pc) =	sbr.ind lr, $3  }
0x3a: {  	_ = 	snop  }
0x3b: {  	_ = 	snop  }
0x3c: {  	p2 =	seq.s32 s10, $0x1;
	s10 =	sld [smem:$0x3FA9]  }
0x3d: {  	_ =	shalt  }
0x3e: {  	_ =	shalt  }
0x3f: {  	_ =	shalt  }
0x40: {  	_ =	shalt  }
0x41: {  	_ =	shalt  }
0x42: {  	_ =	shalt  }
0x43: {  	_ =	shalt  }
0x44: {  	_ =	shalt  }
0x45: {  	_ =	shalt  }
0x46: {  	_ =	shalt  }
0x47: {  	_ =	shalt  }
0x48: {  	_ =	shalt  }
0x49: {  	_ =	shalt  }
0x4a: {  	_ =	shalt  }
0x4b: {  	_ =	shalt  }
0x4c: {  	_ =	shalt  }
0x4d: {  	_ =	shalt  }
0x4e: {  	_ =	shalt  }
0x4f: {  	_ =	shalt  }
0x50: {  	_ =	shalt  }
0x51: {  	_ =	shalt  }
0x52: {  	_ =	shalt  }
0x53: {  	_ =	shalt  }
0x54: {  	_ =	shalt  }
0x55: {  	_ =	shalt  }
0x56: {  	_ =	shalt  }
0x57: {  	_ =	shalt  }
0x58: {  	_ =	shalt  }
0x59: {  	_ =	shalt  }
0x5a: {  	_ =	shalt  }
0x5b: {  	_ =	shalt  }
0x5c: {  	_ =	shalt  }
0x5d: {  	_ =	shalt  }
0x5e: {  	_ =	shalt  }
0x5f: {  	_ =	shalt  }
0x60: {  	_ =	shalt  }
0x61: {  	_ =	shalt  }
0x62: {  	_ =	shalt  }
0x63: {  	_ =	shalt  }
0x64: {  	_ =	shalt  }
0x65: {  	_ =	shalt  }
0x66: {  	_ =	shalt  }
0x67: {  	_ =	shalt  }
0x68: {  	_ =	shalt  }
0x69: {  	_ =	shalt  }
0x6a: {  	_ =	shalt  }
0x6b: {  	_ =	shalt  }
0x6c: {  	_ =	shalt  }
0x6d: {  	_ =	shalt  }
0x6e: {  	_ =	shalt  }
0x6f: {  	_ =	shalt  }
0x70: {  	_ =	shalt  }
0x71: {  	_ =	shalt  }
0x72: {  	_ =	shalt  }
0x73: {  	_ =	shalt  }
0x74: {  	_ =	shalt  }
0x75: {  	_ =	shalt  }
0x76: {  	_ =	shalt  }
0x77: {  	_ =	shalt  }
0x78: {  	_ =	shalt  }
0x79: {  	_ =	shalt  }
0x7a: {  	_ =	shalt  }
0x7b: {  	_ =	shalt  }
0x7c: {  	_ =	shalt  }
0x7d: {  	_ =	shalt  }
0x7e: {  	_ =	shalt  }
0x7f: {  	_ =	shalt  }
0x80: {  	_ =	shalt  }
0x81: {  	_ =	shalt  }
0x82: {  	_ =	shalt  }
0x83: {  	_ =	shalt  }
0x84: {  	_ =	shalt  }
0x85: {  	_ =	shalt  }
0x86: {  	_ =	shalt  }
0x87: {  	_ =	shalt  }
.Lfunc_end0:
.L_simem_size_0:
called_computation_lowered:
.L_overlay_start_0:
0x88: {  	s2 =	sld [smem:$0x3FD9]  }
0x89: {  	s3 =	sld [smem:$0x3FFE];
	_ =	sdelay $0x1  }
0x8a: {  	s1 =	srdreg.scid  }
0x8b: {  	s0 =	sand.u32 $0x1, s1  }
0x8c: {  	s16 =	sshll.u32 s0, $0xA;
	s2 =	sadd.s32 s3, s2  }
0x8d: {  	s2 =	sadd.s32 s2, s16  }
0x8e: {  	[smem:$0x3FB5] =	sst s2  }
0x8f: {  	_ = 	snop  }
0x90: {  	(tm) =	ssettm $0x1  }
0x91: {  	s17 =	sld [smem:$0x3FFB];
	_ =	sdelay $0x3  }
0x92: {  	_ =	strace s17  }
0x93: {  	s2 =	sld [smem:$0x3FFC];
	_ =	sdelay $0x3  }
0x94: {  	_ =	strace s2  }
0x95: {  	s2 =	sld [smem:$0x3FFD];
	_ =	sdelay $0x3  }
0x96: {  	_ =	strace s2  }
0x97: {  	_ =	strace $0x8FFFFFFF  }
0x98: {  	s18 =	sld [smem:$0x3FDB];
	_ =	sdelay $0x1  }
0x99: {  	s19 =	simm.s32 $_scs_section_size  }
0x9a: {  	s4 =	simm.s32 $_size__tile_overlayer_lowered;
	s5 =	simm.s32 $_tile_overlayer_lowered  }
0x9b: {  	s22 =	simm.s32 $0x1BFF;
	s21 =	sshll.u32 s5, $0x1;
	s2 =	sadd.s32 s19, s18  }
0x9c: {  	s6 =	simm.s32 $0x0;
	s20 =	sshll.u32 s4, $0x1;
	s4 =	sadd.s32 s21, s2  }
0x9d: {  	[timem:s6], [sflag:s22] =	dma.local [hbm:s4], s20  }
0x9e: {  	_ =	swait.ge [sflag:s22], s20  }
0x9f: {  	s3 =	ssub.s32 $0x0, s20;
	[sflag:s22] =	ssyncset.done $0x0  }
0xa0: {  	[sflag:s22] =	ssyncadd.s32 s3;
	_ =	sdelay $0x1  }
0xa1: {  	s23 =	simm.s32 $0x1B8B  }
0xa2: {  	_ =	swait.ge [sflag:s23], $0x1  }
0xa3: {  	[sflag:s23] =	ssyncset.done $0x0  }
0xa4: {  	s25 =	simm.s32 $0x1B8E;
	s24 =	sld [smem:$0x3FFE];
	[sflag:s23] =	ssyncadd.s32 $0xFFFFFFFF  }
0xa5: {  	s26 =	simm.s32 $execute0_lowered;
	[smem:$0x3FD2] =	sst s25  }
0xa6: {  	s4 =	sshll.u32 s26, $0x1;
	_ =	strace $0x80000046;
	[dreg:$0x1] =	wrdreg $0xFFFFFFFF  }
0xa7: {  	s28 =	simm.s32 $_size_execute0_lowered;
	s2 =	sadd.s32 s2, s4;
	[dreg:$0x0] =	wrdreg $0x0  }
0xa8: {  	s4 =	sshll.u32 s28, $0x1;
	[dreg:$0x2] =	wrdreg s2  }
0xa9: {  	[dreg:$0x3] =	wrdreg s4  }
0xaa: {  	[dreg:$0x4] =	wrdreg $0xC0  }
0xab: {  	_ =	task [dreg:s6], $0x5FFFF  }
0xac: {  	[dreg:$0x1] =	wrdreg $0xFFFFFFFF  }
0xad: {  	[dreg:$0x0] =	wrdreg $0x60  }
0xae: {  	[dreg:$0x2] =	wrdreg s24  }
0xaf: {  	[dreg:$0x3] =	wrdreg $0x68000  }
0xb0: {  	[dreg:$0x4] =	wrdreg $0x9  }
0xb1: {  	_ =	task.clear_ibuf [dreg:s6], $0x5FFFF;
	_ =	strace $0x90000046  }
0xb2: {  	s29 =	simm.s32 $0x9;
	_ =	strace $0x80000048  }
0xb3: {  	_ =	swait.ge [sflag:s29], $0x1  }
0xb4: {  	[sflag:s29] =	ssyncadd.s32 $0xFFFFFFFF  }
0xb5: {  	_ =	strace $0x90000048  }
0xb6: {  	_ =	sfence  }
0xb7: {  	s30 =	sld [smem:$0x0];
	_ =	sdelay $0x2  }
0xb8: {  	s31 =	sshll.u32 s1, $0xD;
	s1 =	sshrl.u32 s1, $0x2  }
0xb9: {  	s3 =	sand.u32 $0x4000, s31;
	s1 =	sadd.s32 s1, s30  }
0xba: {  	s0 =	sor.u32 s3, s0;
	s1 =	sshll.u32 s1, $0x11  }
0xbb: {  	s0 =	sor.u32 s1, s0  }
0xbc: {  	s0 =	sadd.s32 $0x8F2B, s0  }
0xbd: {  	[sflag:s0] =	ssyncadd.remote.s32 $0x1  }
0xbe: {  	_ =	sfence.sel $0xFFFF  }
0xbf: {  	[dreg:$0x0] =	wrdreg $0xFFFFFFFF;
	(pc) =	sbr.abs _section_cstart, $3  }
0xc0: {  	[dreg:$0x1] =	wrdreg $0xFFFFFFFF  }
0xc1: {  	_ =	task.clear_ibuf [dreg:s6], $0x2FFFF;
	_ =	strace $0x9FFFFFFF  }
0xc2: {  	(tm) =	ssettm $0x7FFFFFFF  }
0xc3: {  	_ =	shalt  }
tec
execute0_lowered:
.L_overlay_start_1:
0x0: {  	(tag) =	ssettag $0x1  }
0x1: {  	s7 =	rddreg [dreg:$0x0]  }
0x2: {  	s0 =	srdreg.scid;
	s2 =	rddreg [dreg:$0x1]  }
0x3: {  	s3 =	simm.s32 $0x0;
	s12 =	simm.s32 $0x2800;
	s6 =	sand.u32 $0x1, s0  }
0x4: {  	s13 =	simm.s32 $0x7D;
	s0 =	stileid.u32;
	s5 =	smul.u32 $0x13C000, s6  }
0x5: {  	s14 =	simm.s32 $0x0;
	[smem:$0x7FF] =	sst s3;
	s8 =	smul.u32 $0x13C00, s0  }
0x6: {  	s1 =	sshll.u32 s6, $0x4;
	s10 =	smul.u32 $0x4F000, s0;
	s6 =	ssub.s32 $0x2, s6  }
0x7: {  	s31 =	sshll.u32 s0, $0x6;
	s1 =	sor.u32 s0, s1;
	s30 =	sshrl.u32 s6, $0x1  }
0x8: {  	s4 =	smul.u32 $0x500, s1;
	s1 =	rddreg [dreg:$0x2];
	_ =	strace $0x80000047  }
0x9: {  	s8 =	sadd.s32 s8, s5;
	s5 =	sadd.s32 $0x10E00, s7;
	s10 =	sshrl.u32 s10, $0x2  }
0xa: {  	s11 =	ssub.s32 s6, s30;
	s6 =	sor.u32 $0x1C01, s31;
	s8 =	sshrl.u32 s8, $0x3  }
0xb: {  	s10 =	sadd.s32 s10, s2;
	s9 =	sadd.s32 s4, s7;
	s4 =	sadd.s32 $0xE600, s7  }
0xc: {  	s8 =	sadd.s32 s8, s7;
	s10 =	sshrl.u32 s10, $0x3;
	s7 =	sadd.s32 $0x4600, s9  }
0xd: {  	s8 =	sadd.s32 $0x11600, s8;
	s9 =	smax.u32 s11, $0x1;
	s11 =	simm.s32 $0x1  }
.LBB2_1:
0xe: {  	[spmem:s10], [sflag:s6] =	dma.local [hbm:s4], $0x2780  }
0xf: {  	_ =	swait.ge [sflag:s11], $0x2780  }
0x10: {  	[sflag:s11] =	ssyncset.done $0x0  }
0x11: {  	[sflag:s11] =	ssyncadd.s32 $0xFFFFD880  }
0x12: {  	[tilespmem:s12], [sflag:$0x1] =	stream.linear.gather [hbm4b:s5+s3], $0x3E80, $0x38;
	[tilespmem:$0x1A400] =	vst v63  }
0x13: {  	_ =	swait.ge [sflag:s11], $0x3E80  }
0x14: {  	[sflag:s11] =	ssyncset.done $0x0  }
0x15: {  	[sflag:s11] =	ssyncadd.s32 $0xFFFFC180  }
0x16: {  	[tilespmem:s3], [sflag:$0x1] =	stream.linear.gather [hbm4b:s7+s3], $0x2800, $0x38;
	[tilespmem:$0x1A400] =	vst v63  }
0x17: {  	_ =	swait.ge [sflag:s11], $0x2800  }
0x18: {  	[sflag:s11] =	ssyncset.done $0x0  }
0x19: {  	[sflag:s11] =	ssyncadd.s32 $0xFFFFD800  }
0x1a: {  	s15 =	simm.s32 $0x0;
	[bflag:$0x0] =	sbarrier.arrive $0xFFFF  }
0x1b: {  	[spmem:s2] =	stream.indirect.scatter.add.f32 [tilespmem:s12], [sflag:$0x1], $0x80, s15, s13, $0xb8;
	[tilespmem:$0x1A400] =	vst v63  }
0x1c: {  	_ =	swait.ge [sflag:s11], $0x3E80  }
0x1d: {  	s15 =	simm.s32 $0x200;
	[sflag:s11] =	ssyncset.done $0x0  }
.LBB2_2:
0x1e: {  	s16 =	sshra.s32 s15, $0x2;
	[sflag:s11] =	ssyncadd.s32 $0xFFFFC180;
	p0 =	sne.s32 s15, $0x9E00  }
0x1f: {  	[spmem:s2] =	stream.indirect.scatter.add.f32 [tilespmem:s12], [sflag:$0x1], $0x80, s16, s13, $0xb8;
	[tilespmem:$0x1A400] =	vst v63  }
.Ltmp0:
0x20: {  	_ = 	snop;
	(pc) =	sbr.rel @p0 .LBB2_2-.Ltmp0, $4  }
0x21: {  	_ = 	snop  }
0x22: {  	s15 =	sadd.s32 $0x200, s15  }
0x23: {  	_ =	swait.ge [sflag:s11], $0x3E80  }
0x24: {  	[sflag:s11] =	ssyncset.done $0x0  }
0x25: {  	s14 =	sadd.s32 $0x1, s14  }
0x26: {  	[sflag:s11] =	ssyncadd.s32 $0xFFFFC180;
	p0 =	sne.s32 s14, s9  }
.Ltmp1:
0x27: {  	[bflag:$0x0] =	sbarrier.arrive $0xFFFF;
	(pc) =	sbr.rel @p0 .LBB2_1-.Ltmp1, $4  }
0x28: {  	[hbm:s8], [sflag:s6] =	dma.local [spmem:s10], $0x2780  }
0x29: {  	_ =	swait.ge [sflag:s11], $0x2780  }
0x2a: {  	[sflag:s11] =	ssyncset.done $0x0  }
0x2b: {  	[sflag:s11] =	ssyncadd.s32 $0xFFFFD880  }
0x2c: {  	_ =	sfence.sel $0x180000  }
0x2d: {  	[bflag:$0x0] =	sbarrier.arrive $0xFFFF  }
0x2e: {  	p0 =	sne.s32 s0, $0x0;
	_ =	strace $0x90000047  }
0x2f: {  	s0 =	sadd.s32 @!p0 $0x100000, s1;
	[bflag:$0x2] =	sbarrier.arrive $0xFFFF  }
0x30: {  	[sflag:s0] =	ssyncadd.tile.s32 @!p0 $0x1;
	_ =	shalt  }
.Lfunc_end2:
_tile_overlayer_lowered:
.L_overlay_start_2:
0x31: {  	(tag) =	ssettag $0x2  }
0x32: {  	s0 =	rddreg [dreg:$0x0];
	s2 =	stileid.u32  }
0x33: {  	s1 =	rddreg [dreg:$0x1];
	p0 =	sne.s32 s2, $0x0  }
0x34: {  	s3 =	rddreg [dreg:$0x2];
	[bflag:$0x3] =	sbarrier.arrive $0xFFFF;
	s2 =	simm.s32 @!p0 $0x1C01  }
0x35: {  	[timem:s3], [sflag:s2] =	dma.local @!p0 [hbm:s0], s1  }
0x36: {  	s0 =	simm.s32 @!p0 $0x1  }
0x37: {  	_ =	swait.ge @!p0 [sflag:s0], s1  }
0x38: {  	s1 =	ssub.s32 @!p0 $0x0, s1;
	[sflag:s0] =	ssyncset.done @!p0 $0x0  }
0x39: {  	[sflag:s0] =	ssyncadd.s32 @!p0 s1  }
0x3a: {  	[bflag:$0x3] =	sbarrier.arrive $0xFFFF  }
0x3b: {  	_ =	shalt  }

// kernel: kernel.13.cloned.1.call-start
scs
__scs_entry_jumppad:
0x0: {  	(pc) =	sbr.rel $0x88, $3  }
0x1: {  	(tag) =	ssettag $0x0;
	lr =	simm.s32 $0x1  }
0x2: {  	[smem:$0x3F8E] =	sst lr;
	_ =	strace $0xD0000000  }
0x3: {  	_ = 	snop  }
0x4: {  	_ = 	snop  }
0x5: {  	_ = 	snop  }
0x6: {  	_ = 	snop  }
0x7: {  	_ = 	snop  }
__scs_overlays_trampoline_lowered:
0x8: {  	[smem:$0x3F9D] =	sst s0  }
0x9: {  	[smem:$0x3F9E] =	sst s1  }
0xa: {  	[smem:$0x3F9F] =	sst s2  }
0xb: {  	[smem:$0x3FA0] =	sst s3  }
0xc: {  	[smem:$0x3FA1] =	sst s4  }
0xd: {  	[smem:$0x3FA2] =	sst s5  }
0xe: {  	[smem:$0x3FA3] =	sst s6  }
0xf: {  	[smem:$0x3FA4] =	sst s7  }
0x10: {  	[smem:$0x3FA5] =	sst s8  }
0x11: {  	[smem:$0x3FA6] =	sst s9;
	s0 =	simm.s32 @!p0 $0x0  }
0x12: {  	s1 =	sld [smem:$0x3F8C];
	s0 =	simm.s32 @p0 $0x1  }
0x13: {  	[smem:$0x3FA7] =	sst s0;
	s0 =	simm.s32 @!p1 $0x0  }
0x14: {  	s2 =	sld [smem:$0x3F8B];
	s0 =	simm.s32 @p1 $0x1  }
0x15: {  	[smem:$0x3FA8] =	sst s0;
	s0 =	simm.s32 @!p2 $0x0  }
0x16: {  	s3 =	sld [smem:$0x3FDB];
	s0 =	simm.s32 @p2 $0x1  }
0x17: {  	s4 =	simm.s32 $0x1BF5;
	[smem:$0x3FAA] =	sst s0  }
0x18: {  	s0 =	sld [smem:$0x3F8D];
	_ =	swait.ge [sflag:s4], $0x0  }
0x19: {  	s7 =	sld [smem:$0x3F8E]  }
0x1a: {  	s8 =	sadd.s32 $0xFFFFE003, lr  }
0x1b: {  	s9 =	sadd.s32 $0xFFFFFEF7, lr;
	s5 =	simm.s32 $0xFFFFFFFF;
	p2 =	slt.u32 s8, $0xFFFFF086  }
0x1c: {  	p1 =	slt.u32 s9, $0xF7A;
	s5 =	simm.s32 @!p2 $0x0  }
0x1d: {  	s5 =	simm.s32 @p1 $0x1;
	p0 =	seq.s32 s7, s2  }
0x1e: {  	s7 =	smul.u32 @!p0 $0xF7A, s2;
	p2 =	seq.s32 @!p0 s5, $0x0  }
0x1f: {  	s9 =	smul.u32 $0xF7A, s1;
	s8 =	simm.s32 @!p0 $0x1BF5;
	p2 =	por !p2, p0  }
0x20: {  	[sflag:s8] =	ssyncset.s32 @!p0 $0xFFFFF086;
	s6 =	sadd.s32 @!p0 s3, s7;
	s7 =	simm.s32 @!p0 $0x108  }
0x21: {  	s3 =	sadd.s32 s3, s9;
	s6 =	sadd.s32 @!p0 $0x88, s6;
	s7 =	simm.s32 @p2 $0x1082  }
0x22: {  	[simem:s7], [sflag:s8] =	dma.local @!p0 [hbm:s6], $0xF7A  }
0x23: {  	s9 =	sor.u32 $0xD0000000, s2;
	s6 =	simm.s32 $0x108;
	_ =	swait.ge @!p0 [sflag:s8], $0x0  }
0x24: {  	s3 =	sadd.s32 $0x88, s3;
	s6 =	simm.s32 @!p1 $0x1082;
	[sflag:s4] =	ssyncset.s32 $0xFFFFF086  }
0x25: {  	[simem:s6], [sflag:s4] =	dma.local [hbm:s3], $0xF7A  }
0x26: {  	[smem:$0x3F8E] =	sst s1;
	(tag) =	ssettag s2;
	_ =	strace s9  }
0x27: {  	s1 =	sld [smem:$0x3F9E]  }
0x28: {  	s2 =	sld [smem:$0x3F9F]  }
0x29: {  	s4 =	sld [smem:$0x3FA1]  }
0x2a: {  	p0 =	seq.s32 s5, $0x0;
	s5 =	sld [smem:$0x3FA2]  }
0x2b: {  	s6 =	sld [smem:$0x3FA3]  }
0x2c: {  	s7 =	sld [smem:$0x3FA4]  }
0x2d: {  	s3 =	simm.s32 $0x108;
	s8 =	sld [smem:$0x3FA5]  }
0x2e: {  	s3 =	simm.s32 @!p0 $0x1082;
	s9 =	sld [smem:$0x3FA6]  }
0x2f: {  	lr =	sadd.s32 s0, s3;
	s0 =	sld [smem:$0x3F9D]  }
0x30: {  	s3 =	sld [smem:$0x3FA0]  }
0x31: {  	[smem:$0x3FA9] =	sst s10  }
0x32: {  	s10 =	sld [smem:$0x3FA7];
	_ =	sdelay $0x3  }
0x33: {  	p0 =	seq.s32 s10, $0x1;
	s10 =	sld [smem:$0x3FA9];
	_ =	sdelay $0x3  }
0x34: {  	[smem:$0x3FA9] =	sst s10  }
0x35: {  	s10 =	sld [smem:$0x3FA8];
	_ =	sdelay $0x3  }
0x36: {  	p1 =	seq.s32 s10, $0x1;
	s10 =	sld [smem:$0x3FA9];
	_ =	sdelay $0x3  }
0x37: {  	[smem:$0x3FA9] =	sst s10  }
0x38: {  	s10 =	sld [smem:$0x3FAA]  }
0x39: {  	_ = 	snop;
	(pc) =	sbr.ind lr, $3  }
0x3a: {  	_ = 	snop  }
0x3b: {  	_ = 	snop  }
0x3c: {  	p2 =	seq.s32 s10, $0x1;
	s10 =	sld [smem:$0x3FA9]  }
0x3d: {  	_ =	shalt  }
0x3e: {  	_ =	shalt  }
0x3f: {  	_ =	shalt  }
0x40: {  	_ =	shalt  }
0x41: {  	_ =	shalt  }
0x42: {  	_ =	shalt  }
0x43: {  	_ =	shalt  }
0x44: {  	_ =	shalt  }
0x45: {  	_ =	shalt  }
0x46: {  	_ =	shalt  }
0x47: {  	_ =	shalt  }
0x48: {  	_ =	shalt  }
0x49: {  	_ =	shalt  }
0x4a: {  	_ =	shalt  }
0x4b: {  	_ =	shalt  }
0x4c: {  	_ =	shalt  }
0x4d: {  	_ =	shalt  }
0x4e: {  	_ =	shalt  }
0x4f: {  	_ =	shalt  }
0x50: {  	_ =	shalt  }
0x51: {  	_ =	shalt  }
0x52: {  	_ =	shalt  }
0x53: {  	_ =	shalt  }
0x54: {  	_ =	shalt  }
0x55: {  	_ =	shalt  }
0x56: {  	_ =	shalt  }
0x57: {  	_ =	shalt  }
0x58: {  	_ =	shalt  }
0x59: {  	_ =	shalt  }
0x5a: {  	_ =	shalt  }
0x5b: {  	_ =	shalt  }
0x5c: {  	_ =	shalt  }
0x5d: {  	_ =	shalt  }
0x5e: {  	_ =	shalt  }
0x5f: {  	_ =	shalt  }
0x60: {  	_ =	shalt  }
0x61: {  	_ =	shalt  }
0x62: {  	_ =	shalt  }
0x63: {  	_ =	shalt  }
0x64: {  	_ =	shalt  }
0x65: {  	_ =	shalt  }
0x66: {  	_ =	shalt  }
0x67: {  	_ =	shalt  }
0x68: {  	_ =	shalt  }
0x69: {  	_ =	shalt  }
0x6a: {  	_ =	shalt  }
0x6b: {  	_ =	shalt  }
0x6c: {  	_ =	shalt  }
0x6d: {  	_ =	shalt  }
0x6e: {  	_ =	shalt  }
0x6f: {  	_ =	shalt  }
0x70: {  	_ =	shalt  }
0x71: {  	_ =	shalt  }
0x72: {  	_ =	shalt  }
0x73: {  	_ =	shalt  }
0x74: {  	_ =	shalt  }
0x75: {  	_ =	shalt  }
0x76: {  	_ =	shalt  }
0x77: {  	_ =	shalt  }
0x78: {  	_ =	shalt  }
0x79: {  	_ =	shalt  }
0x7a: {  	_ =	shalt  }
0x7b: {  	_ =	shalt  }
0x7c: {  	_ =	shalt  }
0x7d: {  	_ =	shalt  }
0x7e: {  	_ =	shalt  }
0x7f: {  	_ =	shalt  }
0x80: {  	_ =	shalt  }
0x81: {  	_ =	shalt  }
0x82: {  	_ =	shalt  }
0x83: {  	_ =	shalt  }
0x84: {  	_ =	shalt  }
0x85: {  	_ =	shalt  }
0x86: {  	_ =	shalt  }
0x87: {  	_ =	shalt  }
.Lfunc_end0:
.L_simem_size_0:
called_computation.1_lowered:
.L_overlay_start_0:
0x88: {  	s2 =	sld [smem:$0x3FD9]  }
0x89: {  	s3 =	sld [smem:$0x3FFE];
	_ =	sdelay $0x1  }
0x8a: {  	s1 =	srdreg.scid  }
0x8b: {  	s0 =	sand.u32 $0x1, s1  }
0x8c: {  	s16 =	sshll.u32 s0, $0xA;
	s2 =	sadd.s32 s3, s2  }
0x8d: {  	s2 =	sadd.s32 s2, s16  }
0x8e: {  	[smem:$0x3FB5] =	sst s2  }
0x8f: {  	_ = 	snop  }
0x90: {  	(tm) =	ssettm $0x1  }
0x91: {  	s17 =	sld [smem:$0x3FFB];
	_ =	sdelay $0x3  }
0x92: {  	_ =	strace s17  }
0x93: {  	s2 =	sld [smem:$0x3FFC];
	_ =	sdelay $0x3  }
0x94: {  	_ =	strace s2  }
0x95: {  	s2 =	sld [smem:$0x3FFD];
	_ =	sdelay $0x3  }
0x96: {  	_ =	strace s2  }
0x97: {  	_ =	strace $0x8FFFFFFF  }
0x98: {  	s18 =	sld [smem:$0x3FDB];
	_ =	sdelay $0x1  }
0x99: {  	s19 =	simm.s32 $_scs_section_size  }
0x9a: {  	s4 =	simm.s32 $_size__tile_overlayer_lowered;
	s5 =	simm.s32 $_tile_overlayer_lowered  }
0x9b: {  	s22 =	simm.s32 $0x1BFF;
	s21 =	sshll.u32 s5, $0x1;
	s2 =	sadd.s32 s19, s18  }
0x9c: {  	s6 =	simm.s32 $0x0;
	s20 =	sshll.u32 s4, $0x1;
	s4 =	sadd.s32 s21, s2  }
0x9d: {  	[timem:s6], [sflag:s22] =	dma.local [hbm:s4], s20  }
0x9e: {  	_ =	swait.ge [sflag:s22], s20  }
0x9f: {  	s3 =	ssub.s32 $0x0, s20;
	[sflag:s22] =	ssyncset.done $0x0  }
0xa0: {  	[sflag:s22] =	ssyncadd.s32 s3;
	_ =	sdelay $0x1  }
0xa1: {  	s23 =	simm.s32 $0x1B8B  }
0xa2: {  	_ =	swait.ge [sflag:s23], $0x1  }
0xa3: {  	[sflag:s23] =	ssyncset.done $0x0  }
0xa4: {  	s25 =	simm.s32 $0x1B8E;
	s24 =	sld [smem:$0x3FFE];
	[sflag:s23] =	ssyncadd.s32 $0xFFFFFFFF  }
0xa5: {  	s26 =	simm.s32 $execute0_lowered;
	[smem:$0x3FD2] =	sst s25  }
0xa6: {  	s4 =	sshll.u32 s26, $0x1;
	_ =	strace $0x80000049;
	[dreg:$0x1] =	wrdreg $0xFFFFFFFF  }
0xa7: {  	s28 =	simm.s32 $_size_execute0_lowered;
	s2 =	sadd.s32 s2, s4;
	[dreg:$0x0] =	wrdreg $0x0  }
0xa8: {  	s4 =	sshll.u32 s28, $0x1;
	[dreg:$0x2] =	wrdreg s2  }
0xa9: {  	[dreg:$0x3] =	wrdreg s4  }
0xaa: {  	[dreg:$0x4] =	wrdreg $0xC0  }
0xab: {  	_ =	task [dreg:s6], $0x5FFFF  }
0xac: {  	[dreg:$0x1] =	wrdreg $0xFFFFFFFF  }
0xad: {  	[dreg:$0x0] =	wrdreg $0x60  }
0xae: {  	[dreg:$0x2] =	wrdreg s24  }
0xaf: {  	[dreg:$0x3] =	wrdreg $0x90000  }
0xb0: {  	[dreg:$0x4] =	wrdreg $0x9  }
0xb1: {  	_ =	task.clear_ibuf [dreg:s6], $0x5FFFF;
	_ =	strace $0x90000049  }
0xb2: {  	s29 =	simm.s32 $0x9;
	_ =	strace $0x8000004B  }
0xb3: {  	_ =	swait.ge [sflag:s29], $0x1  }
0xb4: {  	[sflag:s29] =	ssyncadd.s32 $0xFFFFFFFF  }
0xb5: {  	_ =	strace $0x9000004B  }
0xb6: {  	_ =	sfence  }
0xb7: {  	s30 =	sld [smem:$0x0];
	_ =	sdelay $0x2  }
0xb8: {  	s31 =	sshll.u32 s1, $0xD;
	s1 =	sshrl.u32 s1, $0x2  }
0xb9: {  	s3 =	sand.u32 $0x4000, s31;
	s1 =	sadd.s32 s1, s30  }
0xba: {  	s0 =	sor.u32 s3, s0;
	s1 =	sshll.u32 s1, $0x11  }
0xbb: {  	s0 =	sor.u32 s1, s0  }
0xbc: {  	s0 =	sadd.s32 $0x8F2B, s0  }
0xbd: {  	[sflag:s0] =	ssyncadd.remote.s32 $0x1  }
0xbe: {  	_ =	sfence.sel $0xFFFF  }
0xbf: {  	[dreg:$0x0] =	wrdreg $0xFFFFFFFF;
	(pc) =	sbr.abs _section_cstart, $3  }
0xc0: {  	[dreg:$0x1] =	wrdreg $0xFFFFFFFF  }
0xc1: {  	_ =	task.clear_ibuf [dreg:s6], $0x2FFFF;
	_ =	strace $0x9FFFFFFF  }
0xc2: {  	(tm) =	ssettm $0x7FFFFFFF  }
0xc3: {  	_ =	shalt  }
tec
execute0_lowered:
.L_overlay_start_1:
0x0: {  	(tag) =	ssettag $0x1  }
0x1: {  	s7 =	rddreg [dreg:$0x0]  }
0x2: {  	s0 =	srdreg.scid;
	s2 =	rddreg [dreg:$0x1]  }
0x3: {  	s3 =	simm.s32 $0x0;
	s14 =	simm.s32 $0x7D;
	s15 =	simm.s32 $0x5000  }
0x4: {  	s16 =	simm.s32 $0x1;
	s6 =	sand.u32 $0x1, s0;
	s0 =	stileid.u32  }
0x5: {  	s17 =	simm.s32 $0x0;
	[smem:$0x7FF] =	sst s3;
	s8 =	smul.u32 $0x13C000, s6  }
0x6: {  	s4 =	sadd.s32 $0x10E00, s7;
	s1 =	sshll.u32 s6, $0x4;
	s9 =	smul.u32 $0x13C00, s0  }
0x7: {  	s28 =	smul.u32 $0x4F000, s0;
	s6 =	ssub.s32 $0x2, s6;
	s1 =	sor.u32 s0, s1  }
0x8: {  	s31 =	sshll.u32 s0, $0x6;
	s29 =	sshrl.u32 s6, $0x1;
	s5 =	smul.u32 $0x500, s1  }
0x9: {  	s1 =	rddreg [dreg:$0x2];
	_ =	strace $0x8000004A;
	s8 =	sadd.s32 s9, s8  }
0xa: {  	s30 =	sshrl.u32 s28, $0x2;
	s12 =	ssub.s32 s6, s29;
	s6 =	sor.u32 $0x1C02, s31  }
0xb: {  	s8 =	sshrl.u32 s8, $0x3;
	s13 =	sadd.s32 s30, s2;
	s10 =	sadd.s32 s5, s7  }
0xc: {  	s5 =	sadd.s32 $0xE600, s7;
	s11 =	sadd.s32 s8, s7;
	s7 =	sadd.s32 $0x60600, s10  }
0xd: {  	s8 =	sadd.s32 $0x4600, s10;
	s9 =	sadd.s32 $0x6A600, s11;
	s10 =	smax.u32 s12, $0x1  }
0xe: {  	s11 =	sshrl.u32 s13, $0x3;
	s12 =	simm.s32 $0x2;
	s13 =	simm.s32 $0x2800  }
.LBB2_1:
0xf: {  	[spmem:s11], [sflag:s6] =	dma.local [hbm:s5], $0x2780  }
0x10: {  	_ =	swait.ge [sflag:s12], $0x2780  }
0x11: {  	[sflag:s12] =	ssyncset.done $0x0  }
0x12: {  	[sflag:s12] =	ssyncadd.s32 $0xFFFFD880  }
0x13: {  	[tilespmem:s3], [sflag:$0x2] =	stream.linear.gather [hbm4b:s7+s3], $0x2800, $0x38;
	[tilespmem:$0x1CC00] =	vst v63  }
0x14: {  	_ =	swait.ge [sflag:s12], $0x2800  }
0x15: {  	[sflag:s12] =	ssyncset.done $0x0  }
0x16: {  	[sflag:s12] =	ssyncadd.s32 $0xFFFFD800  }
0x17: {  	[tilespmem:s13], [sflag:$0x2] =	stream.linear.gather [hbm4b:s8+s3], $0x2800, $0x38;
	[tilespmem:$0x1CC00] =	vst v63  }
0x18: {  	_ =	swait.ge [sflag:s12], $0x2800  }
0x19: {  	[sflag:s12] =	ssyncset.done $0x0  }
0x1a: {  	[sflag:s12] =	ssyncadd.s32 $0xFFFFD800  }
0x1b: {  	s18 =	simm.s32 $0x0;
	[bflag:$0x0] =	sbarrier.arrive $0xFFFF  }
0x1c: {  	[tilespmem:s15], [sflag:$0x1] =	stream.indirect.gather [hbm4b:s4+s14], $0x80, s18, s14, $0xb8;
	[tilespmem:$0x1CC00] =	vst v63  }
0x1d: {  	_ =	swait.ge [sflag:s16], $0x3E80  }
0x1e: {  	[sflag:s16] =	ssyncset.done $0x0  }
0x1f: {  	s31 =	simm.s32 $0x2800;
	[sflag:s16] =	ssyncadd.s32 $0xFFFFC180  }
0x20: {  	[spmem:s2] =	stream.indirect.scatter.add.f32 [tilespmem:s15], [sflag:$0x2], $0x80, s31, s14, $0xb8;
	[tilespmem:$0x1CC00] =	vst v63  }
0x21: {  	_ =	swait.ge [sflag:s12], $0x3E80  }
0x22: {  	s19 =	simm.s32 $0x400;
	s18 =	simm.s32 $0x200;
	[sflag:s12] =	ssyncset.done $0x0  }
.LBB2_2:
0x23: {  	s20 =	sshra.s32 s18, $0x2  }
0x24: {  	[sflag:s12] =	ssyncadd.s32 $0xFFFFC180;
	s18 =	smov.u32 s19;
	s21 =	sadd.s32 $0x200, s19  }
0x25: {  	[tilespmem:s15], [sflag:$0x1] =	stream.indirect.gather [hbm4b:s4+s14], $0x80, s20, s14, $0xb8;
	[tilespmem:$0x1CC00] =	vst v63  }
0x26: {  	p0 =	sne.s32 s19, $0x9E00;
	_ =	swait.ge [sflag:s16], $0x3E80  }
.Ltmp0:
0x27: {  	[sflag:s16] =	ssyncset.done $0x0;
	(pc) =	sbr.rel @p0 .LBB2_2-.Ltmp0, $4  }
0x28: {  	s19 =	sadd.s32 $0x2800, s20;
	[sflag:s16] =	ssyncadd.s32 $0xFFFFC180  }
0x29: {  	[spmem:s2] =	stream.indirect.scatter.add.f32 [tilespmem:s15], [sflag:$0x2], $0x80, s19, s14, $0xb8;
	[tilespmem:$0x1CC00] =	vst v63  }
0x2a: {  	_ =	swait.ge [sflag:s12], $0x3E80  }
0x2b: {  	s19 =	smov.u32 s21;
	[sflag:s12] =	ssyncset.done $0x0  }
0x2c: {  	s18 =	sshra.s32 s18, $0x2;
	[sflag:s12] =	ssyncadd.s32 $0xFFFFC180  }
0x2d: {  	[tilespmem:s15], [sflag:$0x1] =	stream.indirect.gather [hbm4b:s4+s14], $0x80, s18, s14, $0xb8;
	[tilespmem:$0x1CC00] =	vst v63  }
0x2e: {  	_ =	swait.ge [sflag:s16], $0x3E80  }
0x2f: {  	[sflag:s16] =	ssyncset.done $0x0  }
0x30: {  	s18 =	sadd.s32 $0x2800, s18;
	[sflag:s16] =	ssyncadd.s32 $0xFFFFC180  }
0x31: {  	[spmem:s2] =	stream.indirect.scatter.add.f32 [tilespmem:s15], [sflag:$0x2], $0x80, s18, s14, $0xb8;
	[tilespmem:$0x1CC00] =	vst v63  }
0x32: {  	_ =	swait.ge [sflag:s12], $0x3E80  }
0x33: {  	s17 =	sadd.s32 $0x1, s17;
	[sflag:s12] =	ssyncset.done $0x0  }
0x34: {  	p0 =	sne.s32 s17, s10;
	[sflag:s12] =	ssyncadd.s32 $0xFFFFC180  }
.Ltmp1:
0x35: {  	[bflag:$0x0] =	sbarrier.arrive $0xFFFF;
	(pc) =	sbr.rel @p0 .LBB2_1-.Ltmp1, $4  }
0x36: {  	[hbm:s9], [sflag:s6] =	dma.local [spmem:s11], $0x2780  }
0x37: {  	_ =	swait.ge [sflag:s12], $0x2780  }
0x38: {  	[sflag:s12] =	ssyncset.done $0x0  }
0x39: {  	[sflag:s12] =	ssyncadd.s32 $0xFFFFD880  }
0x3a: {  	_ =	sfence.sel $0x180000  }
0x3b: {  	[bflag:$0x0] =	sbarrier.arrive $0xFFFF  }
0x3c: {  	p0 =	sne.s32 s0, $0x0;
	_ =	strace $0x9000004A  }
0x3d: {  	s0 =	sadd.s32 @!p0 $0x100000, s1;
	[bflag:$0x2] =	sbarrier.arrive $0xFFFF  }
0x3e: {  	[sflag:s0] =	ssyncadd.tile.s32 @!p0 $0x1;
	_ =	shalt  }
.Lfunc_end2:
_tile_overlayer_lowered:
.L_overlay_start_2:
0x3f: {  	(tag) =	ssettag $0x2  }
0x40: {  	s0 =	rddreg [dreg:$0x0];
	s2 =	stileid.u32  }
0x41: {  	s1 =	rddreg [dreg:$0x1];
	p0 =	sne.s32 s2, $0x0  }
0x42: {  	s3 =	rddreg [dreg:$0x2];
	[bflag:$0x3] =	sbarrier.arrive $0xFFFF;
	s2 =	simm.s32 @!p0 $0x1C02  }
0x43: {  	[timem:s3], [sflag:s2] =	dma.local @!p0 [hbm:s0], s1  }
0x44: {  	s0 =	simm.s32 @!p0 $0x2  }
0x45: {  	_ =	swait.ge @!p0 [sflag:s0], s1  }
0x46: {  	s1 =	ssub.s32 @!p0 $0x0, s1;
	[sflag:s0] =	ssyncset.done @!p0 $0x0  }
0x47: {  	[sflag:s0] =	ssyncadd.s32 @!p0 s1  }
0x48: {  	[bflag:$0x3] =	sbarrier.arrive $0xFFFF  }
0x49: {  	_ =	shalt  }

// kernel: kernel.16.cloned.1.call-start
scs
__scs_entry_jumppad:
0x0: {  	(pc) =	sbr.rel $0x88, $3  }
0x1: {  	(tag) =	ssettag $0x0;
	lr =	simm.s32 $0x1  }
0x2: {  	[smem:$0x3F8E] =	sst lr;
	_ =	strace $0xD0000000  }
0x3: {  	_ = 	snop  }
0x4: {  	_ = 	snop  }
0x5: {  	_ = 	snop  }
0x6: {  	_ = 	snop  }
0x7: {  	_ = 	snop  }
__scs_overlays_trampoline_lowered:
0x8: {  	[smem:$0x3F9D] =	sst s0  }
0x9: {  	[smem:$0x3F9E] =	sst s1  }
0xa: {  	[smem:$0x3F9F] =	sst s2  }
0xb: {  	[smem:$0x3FA0] =	sst s3  }
0xc: {  	[smem:$0x3FA1] =	sst s4  }
0xd: {  	[smem:$0x3FA2] =	sst s5  }
0xe: {  	[smem:$0x3FA3] =	sst s6  }
0xf: {  	[smem:$0x3FA4] =	sst s7  }
0x10: {  	[smem:$0x3FA5] =	sst s8  }
0x11: {  	[smem:$0x3FA6] =	sst s9;
	s0 =	simm.s32 @!p0 $0x0  }
0x12: {  	s1 =	sld [smem:$0x3F8C];
	s0 =	simm.s32 @p0 $0x1  }
0x13: {  	[smem:$0x3FA7] =	sst s0;
	s0 =	simm.s32 @!p1 $0x0  }
0x14: {  	s2 =	sld [smem:$0x3F8B];
	s0 =	simm.s32 @p1 $0x1  }
0x15: {  	[smem:$0x3FA8] =	sst s0;
	s0 =	simm.s32 @!p2 $0x0  }
0x16: {  	s3 =	sld [smem:$0x3FDB];
	s0 =	simm.s32 @p2 $0x1  }
0x17: {  	s4 =	simm.s32 $0x1BF5;
	[smem:$0x3FAA] =	sst s0  }
0x18: {  	s0 =	sld [smem:$0x3F8D];
	_ =	swait.ge [sflag:s4], $0x0  }
0x19: {  	s7 =	sld [smem:$0x3F8E]  }
0x1a: {  	s8 =	sadd.s32 $0xFFFFE003, lr  }
0x1b: {  	s9 =	sadd.s32 $0xFFFFFEF7, lr;
	s5 =	simm.s32 $0xFFFFFFFF;
	p2 =	slt.u32 s8, $0xFFFFF086  }
0x1c: {  	p1 =	slt.u32 s9, $0xF7A;
	s5 =	simm.s32 @!p2 $0x0  }
0x1d: {  	s5 =	simm.s32 @p1 $0x1;
	p0 =	seq.s32 s7, s2  }
0x1e: {  	s7 =	smul.u32 @!p0 $0xF7A, s2;
	p2 =	seq.s32 @!p0 s5, $0x0  }
0x1f: {  	s9 =	smul.u32 $0xF7A, s1;
	s8 =	simm.s32 @!p0 $0x1BF5;
	p2 =	por !p2, p0  }
0x20: {  	[sflag:s8] =	ssyncset.s32 @!p0 $0xFFFFF086;
	s6 =	sadd.s32 @!p0 s3, s7;
	s7 =	simm.s32 @!p0 $0x108  }
0x21: {  	s3 =	sadd.s32 s3, s9;
	s6 =	sadd.s32 @!p0 $0x88, s6;
	s7 =	simm.s32 @p2 $0x1082  }
0x22: {  	[simem:s7], [sflag:s8] =	dma.local @!p0 [hbm:s6], $0xF7A  }
0x23: {  	s9 =	sor.u32 $0xD0000000, s2;
	s6 =	simm.s32 $0x108;
	_ =	swait.ge @!p0 [sflag:s8], $0x0  }
0x24: {  	s3 =	sadd.s32 $0x88, s3;
	s6 =	simm.s32 @!p1 $0x1082;
	[sflag:s4] =	ssyncset.s32 $0xFFFFF086  }
0x25: {  	[simem:s6], [sflag:s4] =	dma.local [hbm:s3], $0xF7A  }
0x26: {  	[smem:$0x3F8E] =	sst s1;
	(tag) =	ssettag s2;
	_ =	strace s9  }
0x27: {  	s1 =	sld [smem:$0x3F9E]  }
0x28: {  	s2 =	sld [smem:$0x3F9F]  }
0x29: {  	s4 =	sld [smem:$0x3FA1]  }
0x2a: {  	p0 =	seq.s32 s5, $0x0;
	s5 =	sld [smem:$0x3FA2]  }
0x2b: {  	s6 =	sld [smem:$0x3FA3]  }
0x2c: {  	s7 =	sld [smem:$0x3FA4]  }
0x2d: {  	s3 =	simm.s32 $0x108;
	s8 =	sld [smem:$0x3FA5]  }
0x2e: {  	s3 =	simm.s32 @!p0 $0x1082;
	s9 =	sld [smem:$0x3FA6]  }
0x2f: {  	lr =	sadd.s32 s0, s3;
	s0 =	sld [smem:$0x3F9D]  }
0x30: {  	s3 =	sld [smem:$0x3FA0]  }
0x31: {  	[smem:$0x3FA9] =	sst s10  }
0x32: {  	s10 =	sld [smem:$0x3FA7];
	_ =	sdelay $0x3  }
0x33: {  	p0 =	seq.s32 s10, $0x1;
	s10 =	sld [smem:$0x3FA9];
	_ =	sdelay $0x3  }
0x34: {  	[smem:$0x3FA9] =	sst s10  }
0x35: {  	s10 =	sld [smem:$0x3FA8];
	_ =	sdelay $0x3  }
0x36: {  	p1 =	seq.s32 s10, $0x1;
	s10 =	sld [smem:$0x3FA9];
	_ =	sdelay $0x3  }
0x37: {  	[smem:$0x3FA9] =	sst s10  }
0x38: {  	s10 =	sld [smem:$0x3FAA]  }
0x39: {  	_ = 	snop;
	(pc) =	sbr.ind lr, $3  }
0x3a: {  	_ = 	snop  }
0x3b: {  	_ = 	snop  }
0x3c: {  	p2 =	seq.s32 s10, $0x1;
	s10 =	sld [smem:$0x3FA9]  }
0x3d: {  	_ =	shalt  }
0x3e: {  	_ =	shalt  }
0x3f: {  	_ =	shalt  }
0x40: {  	_ =	shalt  }
0x41: {  	_ =	shalt  }
0x42: {  	_ =	shalt  }
0x43: {  	_ =	shalt  }
0x44: {  	_ =	shalt  }
0x45: {  	_ =	shalt  }
0x46: {  	_ =	shalt  }
0x47: {  	_ =	shalt  }
0x48: {  	_ =	shalt  }
0x49: {  	_ =	shalt  }
0x4a: {  	_ =	shalt  }
0x4b: {  	_ =	shalt  }
0x4c: {  	_ =	shalt  }
0x4d: {  	_ =	shalt  }
0x4e: {  	_ =	shalt  }
0x4f: {  	_ =	shalt  }
0x50: {  	_ =	shalt  }
0x51: {  	_ =	shalt  }
0x52: {  	_ =	shalt  }
0x53: {  	_ =	shalt  }
0x54: {  	_ =	shalt  }
0x55: {  	_ =	shalt  }
0x56: {  	_ =	shalt  }
0x57: {  	_ =	shalt  }
0x58: {  	_ =	shalt  }
0x59: {  	_ =	shalt  }
0x5a: {  	_ =	shalt  }
0x5b: {  	_ =	shalt  }
0x5c: {  	_ =	shalt  }
0x5d: {  	_ =	shalt  }
0x5e: {  	_ =	shalt  }
0x5f: {  	_ =	shalt  }
0x60: {  	_ =	shalt  }
0x61: {  	_ =	shalt  }
0x62: {  	_ =	shalt  }
0x63: {  	_ =	shalt  }
0x64: {  	_ =	shalt  }
0x65: {  	_ =	shalt  }
0x66: {  	_ =	shalt  }
0x67: {  	_ =	shalt  }
0x68: {  	_ =	shalt  }
0x69: {  	_ =	shalt  }
0x6a: {  	_ =	shalt  }
0x6b: {  	_ =	shalt  }
0x6c: {  	_ =	shalt  }
0x6d: {  	_ =	shalt  }
0x6e: {  	_ =	shalt  }
0x6f: {  	_ =	shalt  }
0x70: {  	_ =	shalt  }
0x71: {  	_ =	shalt  }
0x72: {  	_ =	shalt  }
0x73: {  	_ =	shalt  }
0x74: {  	_ =	shalt  }
0x75: {  	_ =	shalt  }
0x76: {  	_ =	shalt  }
0x77: {  	_ =	shalt  }
0x78: {  	_ =	shalt  }
0x79: {  	_ =	shalt  }
0x7a: {  	_ =	shalt  }
0x7b: {  	_ =	shalt  }
0x7c: {  	_ =	shalt  }
0x7d: {  	_ =	shalt  }
0x7e: {  	_ =	shalt  }
0x7f: {  	_ =	shalt  }
0x80: {  	_ =	shalt  }
0x81: {  	_ =	shalt  }
0x82: {  	_ =	shalt  }
0x83: {  	_ =	shalt  }
0x84: {  	_ =	shalt  }
0x85: {  	_ =	shalt  }
0x86: {  	_ =	shalt  }
0x87: {  	_ =	shalt  }
.Lfunc_end0:
.L_simem_size_0:
called_computation.2_lowered:
.L_overlay_start_0:
0x88: {  	s2 =	sld [smem:$0x3FD9]  }
0x89: {  	s3 =	sld [smem:$0x3FFE];
	_ =	sdelay $0x1  }
0x8a: {  	s1 =	srdreg.scid  }
0x8b: {  	s0 =	sand.u32 $0x1, s1  }
0x8c: {  	s16 =	sshll.u32 s0, $0xA;
	s2 =	sadd.s32 s3, s2  }
0x8d: {  	s2 =	sadd.s32 s2, s16  }
0x8e: {  	[smem:$0x3FB5] =	sst s2  }
0x8f: {  	_ = 	snop  }
0x90: {  	(tm) =	ssettm $0x1  }
0x91: {  	s17 =	sld [smem:$0x3FFB];
	_ =	sdelay $0x3  }
0x92: {  	_ =	strace s17  }
0x93: {  	s2 =	sld [smem:$0x3FFC];
	_ =	sdelay $0x3  }
0x94: {  	_ =	strace s2  }
0x95: {  	s2 =	sld [smem:$0x3FFD];
	_ =	sdelay $0x3  }
0x96: {  	_ =	strace s2  }
0x97: {  	_ =	strace $0x8FFFFFFF  }
0x98: {  	s18 =	sld [smem:$0x3FDB];
	_ =	sdelay $0x1  }
0x99: {  	s19 =	simm.s32 $_scs_section_size  }
0x9a: {  	s4 =	simm.s32 $_size__tile_overlayer_lowered;
	s5 =	simm.s32 $_tile_overlayer_lowered  }
0x9b: {  	s22 =	simm.s32 $0x1BFF;
	s21 =	sshll.u32 s5, $0x1;
	s2 =	sadd.s32 s19, s18  }
0x9c: {  	s6 =	simm.s32 $0x0;
	s20 =	sshll.u32 s4, $0x1;
	s4 =	sadd.s32 s21, s2  }
0x9d: {  	[timem:s6], [sflag:s22] =	dma.local [hbm:s4], s20  }
0x9e: {  	_ =	swait.ge [sflag:s22], s20  }
0x9f: {  	s3 =	ssub.s32 $0x0, s20;
	[sflag:s22] =	ssyncset.done $0x0  }
0xa0: {  	[sflag:s22] =	ssyncadd.s32 s3;
	_ =	sdelay $0x1  }
0xa1: {  	s23 =	simm.s32 $0x1B8B  }
0xa2: {  	_ =	swait.ge [sflag:s23], $0x1  }
0xa3: {  	[sflag:s23] =	ssyncset.done $0x0  }
0xa4: {  	s25 =	simm.s32 $0x1B8E;
	s24 =	sld [smem:$0x3FFE];
	[sflag:s23] =	ssyncadd.s32 $0xFFFFFFFF  }
0xa5: {  	s26 =	simm.s32 $execute0_lowered;
	[smem:$0x3FD2] =	sst s25  }
0xa6: {  	s4 =	sshll.u32 s26, $0x1;
	_ =	strace $0x8000004C;
	[dreg:$0x1] =	wrdreg $0xFFFFFFFF  }
0xa7: {  	s28 =	simm.s32 $_size_execute0_lowered;
	s2 =	sadd.s32 s2, s4;
	[dreg:$0x0] =	wrdreg $0x0  }
0xa8: {  	s4 =	sshll.u32 s28, $0x1;
	[dreg:$0x2] =	wrdreg s2  }
0xa9: {  	[dreg:$0x3] =	wrdreg s4  }
0xaa: {  	[dreg:$0x4] =	wrdreg $0xC0  }
0xab: {  	_ =	task [dreg:s6], $0x5FFFF  }
0xac: {  	[dreg:$0x1] =	wrdreg $0xFFFFFFFF  }
0xad: {  	[dreg:$0x0] =	wrdreg $0x60  }
0xae: {  	[dreg:$0x2] =	wrdreg s24  }
0xaf: {  	[dreg:$0x3] =	wrdreg $0x90000  }
0xb0: {  	[dreg:$0x4] =	wrdreg $0x9  }
0xb1: {  	_ =	task.clear_ibuf [dreg:s6], $0x5FFFF;
	_ =	strace $0x9000004C  }
0xb2: {  	s29 =	simm.s32 $0x9;
	_ =	strace $0x8000004E  }
0xb3: {  	_ =	swait.ge [sflag:s29], $0x1  }
0xb4: {  	[sflag:s29] =	ssyncadd.s32 $0xFFFFFFFF  }
0xb5: {  	_ =	strace $0x9000004E  }
0xb6: {  	_ =	sfence  }
0xb7: {  	s30 =	sld [smem:$0x0];
	_ =	sdelay $0x2  }
0xb8: {  	s31 =	sshll.u32 s1, $0xD;
	s1 =	sshrl.u32 s1, $0x2  }
0xb9: {  	s3 =	sand.u32 $0x4000, s31;
	s1 =	sadd.s32 s1, s30  }
0xba: {  	s0 =	sor.u32 s3, s0;
	s1 =	sshll.u32 s1, $0x11  }
0xbb: {  	s0 =	sor.u32 s1, s0  }
0xbc: {  	s0 =	sadd.s32 $0x8F2B, s0  }
0xbd: {  	[sflag:s0] =	ssyncadd.remote.s32 $0x1  }
0xbe: {  	_ =	sfence.sel $0xFFFF  }
0xbf: {  	[dreg:$0x0] =	wrdreg $0xFFFFFFFF;
	(pc) =	sbr.abs _section_cstart, $3  }
0xc0: {  	[dreg:$0x1] =	wrdreg $0xFFFFFFFF  }
0xc1: {  	_ =	task.clear_ibuf [dreg:s6], $0x2FFFF;
	_ =	strace $0x9FFFFFFF  }
0xc2: {  	(tm) =	ssettm $0x7FFFFFFF  }
0xc3: {  	_ =	shalt  }
tec
execute0_lowered:
.L_overlay_start_1:
0x0: {  	(tag) =	ssettag $0x1  }
0x1: {  	s7 =	rddreg [dreg:$0x0]  }
0x2: {  	s0 =	srdreg.scid;
	s2 =	rddreg [dreg:$0x1]  }
0x3: {  	s3 =	simm.s32 $0x0;
	s14 =	simm.s32 $0x7D;
	s15 =	simm.s32 $0x5000  }
0x4: {  	s16 =	simm.s32 $0x1;
	s6 =	sand.u32 $0x1, s0;
	s0 =	stileid.u32  }
0x5: {  	s17 =	simm.s32 $0x0;
	[smem:$0x7FF] =	sst s3;
	s8 =	smul.u32 $0x13C000, s6  }
0x6: {  	s4 =	sadd.s32 $0x10E00, s7;
	s1 =	sshll.u32 s6, $0x4;
	s9 =	smul.u32 $0x13C00, s0  }
0x7: {  	s28 =	smul.u32 $0x4F000, s0;
	s6 =	ssub.s32 $0x2, s6;
	s1 =	sor.u32 s0, s1  }
0x8: {  	s31 =	sshll.u32 s0, $0x6;
	s29 =	sshrl.u32 s6, $0x1;
	s5 =	smul.u32 $0x500, s1  }
0x9: {  	s1 =	rddreg [dreg:$0x2];
	_ =	strace $0x8000004D;
	s8 =	sadd.s32 s9, s8  }
0xa: {  	s30 =	sshrl.u32 s28, $0x2;
	s12 =	ssub.s32 s6, s29;
	s6 =	sor.u32 $0x1C02, s31  }
0xb: {  	s8 =	sshrl.u32 s8, $0x3;
	s13 =	sadd.s32 s30, s2;
	s10 =	sadd.s32 s5, s7  }
0xc: {  	s5 =	sadd.s32 $0xE600, s7;
	s11 =	sadd.s32 s8, s7;
	s7 =	sadd.s32 $0x60600, s10  }
0xd: {  	s8 =	sadd.s32 $0x4600, s10;
	s9 =	sadd.s32 $0x6A600, s11;
	s10 =	smax.u32 s12, $0x1  }
0xe: {  	s11 =	sshrl.u32 s13, $0x3;
	s12 =	simm.s32 $0x2;
	s13 =	simm.s32 $0x2800  }
.LBB2_1:
0xf: {  	[spmem:s11], [sflag:s6] =	dma.local [hbm:s5], $0x2780  }
0x10: {  	_ =	swait.ge [sflag:s12], $0x2780  }
0x11: {  	[sflag:s12] =	ssyncset.done $0x0  }
0x12: {  	[sflag:s12] =	ssyncadd.s32 $0xFFFFD880  }
0x13: {  	[tilespmem:s3], [sflag:$0x2] =	stream.linear.gather [hbm4b:s7+s3], $0x2800, $0x38;
	[tilespmem:$0x1CC00] =	vst v63  }
0x14: {  	_ =	swait.ge [sflag:s12], $0x2800  }
0x15: {  	[sflag:s12] =	ssyncset.done $0x0  }
0x16: {  	[sflag:s12] =	ssyncadd.s32 $0xFFFFD800  }
0x17: {  	[tilespmem:s13], [sflag:$0x2] =	stream.linear.gather [hbm4b:s8+s3], $0x2800, $0x38;
	[tilespmem:$0x1CC00] =	vst v63  }
0x18: {  	_ =	swait.ge [sflag:s12], $0x2800  }
0x19: {  	[sflag:s12] =	ssyncset.done $0x0  }
0x1a: {  	[sflag:s12] =	ssyncadd.s32 $0xFFFFD800  }
0x1b: {  	s18 =	simm.s32 $0x0;
	[bflag:$0x0] =	sbarrier.arrive $0xFFFF  }
0x1c: {  	[tilespmem:s15], [sflag:$0x1] =	stream.indirect.gather [hbm4b:s4+s14], $0x80, s18, s14, $0xb8;
	[tilespmem:$0x1CC00] =	vst v63  }
0x1d: {  	_ =	swait.ge [sflag:s16], $0x3E80  }
0x1e: {  	[sflag:s16] =	ssyncset.done $0x0  }
0x1f: {  	s31 =	simm.s32 $0x2800;
	[sflag:s16] =	ssyncadd.s32 $0xFFFFC180  }
0x20: {  	[spmem:s2] =	stream.indirect.scatter.add.f32 [tilespmem:s15], [sflag:$0x2], $0x80, s31, s14, $0xb8;
	[tilespmem:$0x1CC00] =	vst v63  }
0x21: {  	_ =	swait.ge [sflag:s12], $0x3E80  }
0x22: {  	s19 =	simm.s32 $0x400;
	s18 =	simm.s32 $0x200;
	[sflag:s12] =	ssyncset.done $0x0  }
.LBB2_2:
0x23: {  	s20 =	sshra.s32 s18, $0x2  }
0x24: {  	[sflag:s12] =	ssyncadd.s32 $0xFFFFC180;
	s18 =	smov.u32 s19;
	s21 =	sadd.s32 $0x200, s19  }
0x25: {  	[tilespmem:s15], [sflag:$0x1] =	stream.indirect.gather [hbm4b:s4+s14], $0x80, s20, s14, $0xb8;
	[tilespmem:$0x1CC00] =	vst v63  }
0x26: {  	p0 =	sne.s32 s19, $0x9E00;
	_ =	swait.ge [sflag:s16], $0x3E80  }
.Ltmp0:
0x27: {  	[sflag:s16] =	ssyncset.done $0x0;
	(pc) =	sbr.rel @p0 .LBB2_2-.Ltmp0, $4  }
0x28: {  	s19 =	sadd.s32 $0x2800, s20;
	[sflag:s16] =	ssyncadd.s32 $0xFFFFC180  }
0x29: {  	[spmem:s2] =	stream.indirect.scatter.add.f32 [tilespmem:s15], [sflag:$0x2], $0x80, s19, s14, $0xb8;
	[tilespmem:$0x1CC00] =	vst v63  }
0x2a: {  	_ =	swait.ge [sflag:s12], $0x3E80  }
0x2b: {  	s19 =	smov.u32 s21;
	[sflag:s12] =	ssyncset.done $0x0  }
0x2c: {  	s18 =	sshra.s32 s18, $0x2;
	[sflag:s12] =	ssyncadd.s32 $0xFFFFC180  }
0x2d: {  	[tilespmem:s15], [sflag:$0x1] =	stream.indirect.gather [hbm4b:s4+s14], $0x80, s18, s14, $0xb8;
	[tilespmem:$0x1CC00] =	vst v63  }
0x2e: {  	_ =	swait.ge [sflag:s16], $0x3E80  }
0x2f: {  	[sflag:s16] =	ssyncset.done $0x0  }
0x30: {  	s18 =	sadd.s32 $0x2800, s18;
	[sflag:s16] =	ssyncadd.s32 $0xFFFFC180  }
0x31: {  	[spmem:s2] =	stream.indirect.scatter.add.f32 [tilespmem:s15], [sflag:$0x2], $0x80, s18, s14, $0xb8;
	[tilespmem:$0x1CC00] =	vst v63  }
0x32: {  	_ =	swait.ge [sflag:s12], $0x3E80  }
0x33: {  	s17 =	sadd.s32 $0x1, s17;
	[sflag:s12] =	ssyncset.done $0x0  }
0x34: {  	p0 =	sne.s32 s17, s10;
	[sflag:s12] =	ssyncadd.s32 $0xFFFFC180  }
.Ltmp1:
0x35: {  	[bflag:$0x0] =	sbarrier.arrive $0xFFFF;
	(pc) =	sbr.rel @p0 .LBB2_1-.Ltmp1, $4  }
0x36: {  	[hbm:s9], [sflag:s6] =	dma.local [spmem:s11], $0x2780  }
0x37: {  	_ =	swait.ge [sflag:s12], $0x2780  }
0x38: {  	[sflag:s12] =	ssyncset.done $0x0  }
0x39: {  	[sflag:s12] =	ssyncadd.s32 $0xFFFFD880  }
0x3a: {  	_ =	sfence.sel $0x180000  }
0x3b: {  	[bflag:$0x0] =	sbarrier.arrive $0xFFFF  }
0x3c: {  	p0 =	sne.s32 s0, $0x0;
	_ =	strace $0x9000004D  }
0x3d: {  	s0 =	sadd.s32 @!p0 $0x100000, s1;
	[bflag:$0x2] =	sbarrier.arrive $0xFFFF  }
0x3e: {  	[sflag:s0] =	ssyncadd.tile.s32 @!p0 $0x1;
	_ =	shalt  }
.Lfunc_end2:
_tile_overlayer_lowered:
.L_overlay_start_2:
0x3f: {  	(tag) =	ssettag $0x2  }
0x40: {  	s0 =	rddreg [dreg:$0x0];
	s2 =	stileid.u32  }
0x41: {  	s1 =	rddreg [dreg:$0x1];
	p0 =	sne.s32 s2, $0x0  }
0x42: {  	s3 =	rddreg [dreg:$0x2];
	[bflag:$0x3] =	sbarrier.arrive $0xFFFF;
	s2 =	simm.s32 @!p0 $0x1C02  }
0x43: {  	[timem:s3], [sflag:s2] =	dma.local @!p0 [hbm:s0], s1  }
0x44: {  	s0 =	simm.s32 @!p0 $0x2  }
0x45: {  	_ =	swait.ge @!p0 [sflag:s0], s1  }
0x46: {  	s1 =	ssub.s32 @!p0 $0x0, s1;
	[sflag:s0] =	ssyncset.done @!p0 $0x0  }
0x47: {  	[sflag:s0] =	ssyncadd.s32 @!p0 s1  }
0x48: {  	[bflag:$0x3] =	sbarrier.arrive $0xFFFF  }
0x49: {  	_ =	shalt  }

// kernel: kernel.19.cloned.1.call-start
scs
__scs_entry_jumppad:
0x0: {  	(pc) =	sbr.rel $0x88, $3  }
0x1: {  	(tag) =	ssettag $0x0;
	lr =	simm.s32 $0x1  }
0x2: {  	[smem:$0x3F8E] =	sst lr;
	_ =	strace $0xD0000000  }
0x3: {  	_ = 	snop  }
0x4: {  	_ = 	snop  }
0x5: {  	_ = 	snop  }
0x6: {  	_ = 	snop  }
0x7: {  	_ = 	snop  }
__scs_overlays_trampoline_lowered:
0x8: {  	[smem:$0x3F9D] =	sst s0  }
0x9: {  	[smem:$0x3F9E] =	sst s1  }
0xa: {  	[smem:$0x3F9F] =	sst s2  }
0xb: {  	[smem:$0x3FA0] =	sst s3  }
0xc: {  	[smem:$0x3FA1] =	sst s4  }
0xd: {  	[smem:$0x3FA2] =	sst s5  }
0xe: {  	[smem:$0x3FA3] =	sst s6  }
0xf: {  	[smem:$0x3FA4] =	sst s7  }
0x10: {  	[smem:$0x3FA5] =	sst s8  }
0x11: {  	[smem:$0x3FA6] =	sst s9;
	s0 =	simm.s32 @!p0 $0x0  }
0x12: {  	s1 =	sld [smem:$0x3F8C];
	s0 =	simm.s32 @p0 $0x1  }
0x13: {  	[smem:$0x3FA7] =	sst s0;
	s0 =	simm.s32 @!p1 $0x0  }
0x14: {  	s2 =	sld [smem:$0x3F8B];
	s0 =	simm.s32 @p1 $0x1  }
0x15: {  	[smem:$0x3FA8] =	sst s0;
	s0 =	simm.s32 @!p2 $0x0  }
0x16: {  	s3 =	sld [smem:$0x3FDB];
	s0 =	simm.s32 @p2 $0x1  }
0x17: {  	s4 =	simm.s32 $0x1BF5;
	[smem:$0x3FAA] =	sst s0  }
0x18: {  	s0 =	sld [smem:$0x3F8D];
	_ =	swait.ge [sflag:s4], $0x0  }
0x19: {  	s7 =	sld [smem:$0x3F8E]  }
0x1a: {  	s8 =	sadd.s32 $0xFFFFE003, lr  }
0x1b: {  	s9 =	sadd.s32 $0xFFFFFEF7, lr;
	s5 =	simm.s32 $0xFFFFFFFF;
	p2 =	slt.u32 s8, $0xFFFFF086  }
0x1c: {  	p1 =	slt.u32 s9, $0xF7A;
	s5 =	simm.s32 @!p2 $0x0  }
0x1d: {  	s5 =	simm.s32 @p1 $0x1;
	p0 =	seq.s32 s7, s2  }
0x1e: {  	s7 =	smul.u32 @!p0 $0xF7A, s2;
	p2 =	seq.s32 @!p0 s5, $0x0  }
0x1f: {  	s9 =	smul.u32 $0xF7A, s1;
	s8 =	simm.s32 @!p0 $0x1BF5;
	p2 =	por !p2, p0  }
0x20: {  	[sflag:s8] =	ssyncset.s32 @!p0 $0xFFFFF086;
	s6 =	sadd.s32 @!p0 s3, s7;
	s7 =	simm.s32 @!p0 $0x108  }
0x21: {  	s3 =	sadd.s32 s3, s9;
	s6 =	sadd.s32 @!p0 $0x88, s6;
	s7 =	simm.s32 @p2 $0x1082  }
0x22: {  	[simem:s7], [sflag:s8] =	dma.local @!p0 [hbm:s6], $0xF7A  }
0x23: {  	s9 =	sor.u32 $0xD0000000, s2;
	s6 =	simm.s32 $0x108;
	_ =	swait.ge @!p0 [sflag:s8], $0x0  }
0x24: {  	s3 =	sadd.s32 $0x88, s3;
	s6 =	simm.s32 @!p1 $0x1082;
	[sflag:s4] =	ssyncset.s32 $0xFFFFF086  }
0x25: {  	[simem:s6], [sflag:s4] =	dma.local [hbm:s3], $0xF7A  }
0x26: {  	[smem:$0x3F8E] =	sst s1;
	(tag) =	ssettag s2;
	_ =	strace s9  }
0x27: {  	s1 =	sld [smem:$0x3F9E]  }
0x28: {  	s2 =	sld [smem:$0x3F9F]  }
0x29: {  	s4 =	sld [smem:$0x3FA1]  }
0x2a: {  	p0 =	seq.s32 s5, $0x0;
	s5 =	sld [smem:$0x3FA2]  }
0x2b: {  	s6 =	sld [smem:$0x3FA3]  }
0x2c: {  	s7 =	sld [smem:$0x3FA4]  }
0x2d: {  	s3 =	simm.s32 $0x108;
	s8 =	sld [smem:$0x3FA5]  }
0x2e: {  	s3 =	simm.s32 @!p0 $0x1082;
	s9 =	sld [smem:$0x3FA6]  }
0x2f: {  	lr =	sadd.s32 s0, s3;
	s0 =	sld [smem:$0x3F9D]  }
0x30: {  	s3 =	sld [smem:$0x3FA0]  }
0x31: {  	[smem:$0x3FA9] =	sst s10  }
0x32: {  	s10 =	sld [smem:$0x3FA7];
	_ =	sdelay $0x3  }
0x33: {  	p0 =	seq.s32 s10, $0x1;
	s10 =	sld [smem:$0x3FA9];
	_ =	sdelay $0x3  }
0x34: {  	[smem:$0x3FA9] =	sst s10  }
0x35: {  	s10 =	sld [smem:$0x3FA8];
	_ =	sdelay $0x3  }
0x36: {  	p1 =	seq.s32 s10, $0x1;
	s10 =	sld [smem:$0x3FA9];
	_ =	sdelay $0x3  }
0x37: {  	[smem:$0x3FA9] =	sst s10  }
0x38: {  	s10 =	sld [smem:$0x3FAA]  }
0x39: {  	_ = 	snop;
	(pc) =	sbr.ind lr, $3  }
0x3a: {  	_ = 	snop  }
0x3b: {  	_ = 	snop  }
0x3c: {  	p2 =	seq.s32 s10, $0x1;
	s10 =	sld [smem:$0x3FA9]  }
0x3d: {  	_ =	shalt  }
0x3e: {  	_ =	shalt  }
0x3f: {  	_ =	shalt  }
0x40: {  	_ =	shalt  }
0x41: {  	_ =	shalt  }
0x42: {  	_ =	shalt  }
0x43: {  	_ =	shalt  }
0x44: {  	_ =	shalt  }
0x45: {  	_ =	shalt  }
0x46: {  	_ =	shalt  }
0x47: {  	_ =	shalt  }
0x48: {  	_ =	shalt  }
0x49: {  	_ =	shalt  }
0x4a: {  	_ =	shalt  }
0x4b: {  	_ =	shalt  }
0x4c: {  	_ =	shalt  }
0x4d: {  	_ =	shalt  }
0x4e: {  	_ =	shalt  }
0x4f: {  	_ =	shalt  }
0x50: {  	_ =	shalt  }
0x51: {  	_ =	shalt  }
0x52: {  	_ =	shalt  }
0x53: {  	_ =	shalt  }
0x54: {  	_ =	shalt  }
0x55: {  	_ =	shalt  }
0x56: {  	_ =	shalt  }
0x57: {  	_ =	shalt  }
0x58: {  	_ =	shalt  }
0x59: {  	_ =	shalt  }
0x5a: {  	_ =	shalt  }
0x5b: {  	_ =	shalt  }
0x5c: {  	_ =	shalt  }
0x5d: {  	_ =	shalt  }
0x5e: {  	_ =	shalt  }
0x5f: {  	_ =	shalt  }
0x60: {  	_ =	shalt  }
0x61: {  	_ =	shalt  }
0x62: {  	_ =	shalt  }
0x63: {  	_ =	shalt  }
0x64: {  	_ =	shalt  }
0x65: {  	_ =	shalt  }
0x66: {  	_ =	shalt  }
0x67: {  	_ =	shalt  }
0x68: {  	_ =	shalt  }
0x69: {  	_ =	shalt  }
0x6a: {  	_ =	shalt  }
0x6b: {  	_ =	shalt  }
0x6c: {  	_ =	shalt  }
0x6d: {  	_ =	shalt  }
0x6e: {  	_ =	shalt  }
0x6f: {  	_ =	shalt  }
0x70: {  	_ =	shalt  }
0x71: {  	_ =	shalt  }
0x72: {  	_ =	shalt  }
0x73: {  	_ =	shalt  }
0x74: {  	_ =	shalt  }
0x75: {  	_ =	shalt  }
0x76: {  	_ =	shalt  }
0x77: {  	_ =	shalt  }
0x78: {  	_ =	shalt  }
0x79: {  	_ =	shalt  }
0x7a: {  	_ =	shalt  }
0x7b: {  	_ =	shalt  }
0x7c: {  	_ =	shalt  }
0x7d: {  	_ =	shalt  }
0x7e: {  	_ =	shalt  }
0x7f: {  	_ =	shalt  }
0x80: {  	_ =	shalt  }
0x81: {  	_ =	shalt  }
0x82: {  	_ =	shalt  }
0x83: {  	_ =	shalt  }
0x84: {  	_ =	shalt  }
0x85: {  	_ =	shalt  }
0x86: {  	_ =	shalt  }
0x87: {  	_ =	shalt  }
.Lfunc_end0:
.L_simem_size_0:
called_computation.3_lowered:
.L_overlay_start_0:
0x88: {  	s2 =	sld [smem:$0x3FD9]  }
0x89: {  	s3 =	sld [smem:$0x3FFE];
	_ =	sdelay $0x1  }
0x8a: {  	s1 =	srdreg.scid  }
0x8b: {  	s0 =	sand.u32 $0x1, s1  }
0x8c: {  	s16 =	sshll.u32 s0, $0xA;
	s2 =	sadd.s32 s3, s2  }
0x8d: {  	s2 =	sadd.s32 s2, s16  }
0x8e: {  	[smem:$0x3FB5] =	sst s2  }
0x8f: {  	_ = 	snop  }
0x90: {  	(tm) =	ssettm $0x1  }
0x91: {  	s17 =	sld [smem:$0x3FFB];
	_ =	sdelay $0x3  }
0x92: {  	_ =	strace s17  }
0x93: {  	s2 =	sld [smem:$0x3FFC];
	_ =	sdelay $0x3  }
0x94: {  	_ =	strace s2  }
0x95: {  	s2 =	sld [smem:$0x3FFD];
	_ =	sdelay $0x3  }
0x96: {  	_ =	strace s2  }
0x97: {  	_ =	strace $0x8FFFFFFF  }
0x98: {  	s18 =	sld [smem:$0x3FDB];
	_ =	sdelay $0x1  }
0x99: {  	s19 =	simm.s32 $_scs_section_size  }
0x9a: {  	s4 =	simm.s32 $_size__tile_overlayer_lowered;
	s5 =	simm.s32 $_tile_overlayer_lowered  }
0x9b: {  	s22 =	simm.s32 $0x1BFF;
	s21 =	sshll.u32 s5, $0x1;
	s2 =	sadd.s32 s19, s18  }
0x9c: {  	s6 =	simm.s32 $0x0;
	s20 =	sshll.u32 s4, $0x1;
	s4 =	sadd.s32 s21, s2  }
0x9d: {  	[timem:s6], [sflag:s22] =	dma.local [hbm:s4], s20  }
0x9e: {  	_ =	swait.ge [sflag:s22], s20  }
0x9f: {  	s3 =	ssub.s32 $0x0, s20;
	[sflag:s22] =	ssyncset.done $0x0  }
0xa0: {  	[sflag:s22] =	ssyncadd.s32 s3;
	_ =	sdelay $0x1  }
0xa1: {  	s23 =	simm.s32 $0x1B8B  }
0xa2: {  	_ =	swait.ge [sflag:s23], $0x1  }
0xa3: {  	[sflag:s23] =	ssyncset.done $0x0  }
0xa4: {  	s25 =	simm.s32 $0x1B8E;
	s24 =	sld [smem:$0x3FFE];
	[sflag:s23] =	ssyncadd.s32 $0xFFFFFFFF  }
0xa5: {  	s26 =	simm.s32 $execute0_lowered;
	[smem:$0x3FD2] =	sst s25  }
0xa6: {  	s4 =	sshll.u32 s26, $0x1;
	_ =	strace $0x8000004F;
	[dreg:$0x1] =	wrdreg $0xFFFFFFFF  }
0xa7: {  	s28 =	simm.s32 $_size_execute0_lowered;
	s2 =	sadd.s32 s2, s4;
	[dreg:$0x0] =	wrdreg $0x0  }
0xa8: {  	s4 =	sshll.u32 s28, $0x1;
	[dreg:$0x2] =	wrdreg s2  }
0xa9: {  	[dreg:$0x3] =	wrdreg s4  }
0xaa: {  	[dreg:$0x4] =	wrdreg $0xC0  }
0xab: {  	_ =	task [dreg:s6], $0x5FFFF  }
0xac: {  	[dreg:$0x1] =	wrdreg $0xFFFFFFFF  }
0xad: {  	[dreg:$0x0] =	wrdreg $0x60  }
0xae: {  	[dreg:$0x2] =	wrdreg s24  }
0xaf: {  	[dreg:$0x3] =	wrdreg $0x90000  }
0xb0: {  	[dreg:$0x4] =	wrdreg $0x9  }
0xb1: {  	_ =	task.clear_ibuf [dreg:s6], $0x5FFFF;
	_ =	strace $0x9000004F  }
0xb2: {  	s29 =	simm.s32 $0x9;
	_ =	strace $0x80000051  }
0xb3: {  	_ =	swait.ge [sflag:s29], $0x1  }
0xb4: {  	[sflag:s29] =	ssyncadd.s32 $0xFFFFFFFF  }
0xb5: {  	_ =	strace $0x90000051  }
0xb6: {  	_ =	sfence  }
0xb7: {  	s30 =	sld [smem:$0x0];
	_ =	sdelay $0x2  }
0xb8: {  	s31 =	sshll.u32 s1, $0xD;
	s1 =	sshrl.u32 s1, $0x2  }
0xb9: {  	s3 =	sand.u32 $0x4000, s31;
	s1 =	sadd.s32 s1, s30  }
0xba: {  	s0 =	sor.u32 s3, s0;
	s1 =	sshll.u32 s1, $0x11  }
0xbb: {  	s0 =	sor.u32 s1, s0  }
0xbc: {  	s0 =	sadd.s32 $0x8F2B, s0  }
0xbd: {  	[sflag:s0] =	ssyncadd.remote.s32 $0x1  }
0xbe: {  	_ =	sfence.sel $0xFFFF  }
0xbf: {  	[dreg:$0x0] =	wrdreg $0xFFFFFFFF;
	(pc) =	sbr.abs _section_cstart, $3  }
0xc0: {  	[dreg:$0x1] =	wrdreg $0xFFFFFFFF  }
0xc1: {  	_ =	task.clear_ibuf [dreg:s6], $0x2FFFF;
	_ =	strace $0x9FFFFFFF  }
0xc2: {  	(tm) =	ssettm $0x7FFFFFFF  }
0xc3: {  	_ =	shalt  }
tec
execute0_lowered:
.L_overlay_start_1:
0x0: {  	(tag) =	ssettag $0x1  }
0x1: {  	s7 =	rddreg [dreg:$0x0]  }
0x2: {  	s0 =	srdreg.scid;
	s2 =	rddreg [dreg:$0x1]  }
0x3: {  	s3 =	simm.s32 $0x0;
	s14 =	simm.s32 $0x7D;
	s15 =	simm.s32 $0x5000  }
0x4: {  	s16 =	simm.s32 $0x1;
	s6 =	sand.u32 $0x1, s0;
	s0 =	stileid.u32  }
0x5: {  	s17 =	simm.s32 $0x0;
	[smem:$0x7FF] =	sst s3;
	s8 =	smul.u32 $0x13C000, s6  }
0x6: {  	s4 =	sadd.s32 $0x10E00, s7;
	s1 =	sshll.u32 s6, $0x4;
	s9 =	smul.u32 $0x13C00, s0  }
0x7: {  	s28 =	smul.u32 $0x4F000, s0;
	s6 =	ssub.s32 $0x2, s6;
	s1 =	sor.u32 s0, s1  }
0x8: {  	s31 =	sshll.u32 s0, $0x6;
	s29 =	sshrl.u32 s6, $0x1;
	s5 =	smul.u32 $0x500, s1  }
0x9: {  	s1 =	rddreg [dreg:$0x2];
	_ =	strace $0x80000050;
	s8 =	sadd.s32 s9, s8  }
0xa: {  	s30 =	sshrl.u32 s28, $0x2;
	s12 =	ssub.s32 s6, s29;
	s6 =	sor.u32 $0x1C02, s31  }
0xb: {  	s8 =	sshrl.u32 s8, $0x3;
	s13 =	sadd.s32 s30, s2;
	s10 =	sadd.s32 s5, s7  }
0xc: {  	s5 =	sadd.s32 $0xE600, s7;
	s11 =	sadd.s32 s8, s7;
	s7 =	sadd.s32 $0x60600, s10  }
0xd: {  	s8 =	sadd.s32 $0x4600, s10;
	s9 =	sadd.s32 $0x6A600, s11;
	s10 =	smax.u32 s12, $0x1  }
0xe: {  	s11 =	sshrl.u32 s13, $0x3;
	s12 =	simm.s32 $0x2;
	s13 =	simm.s32 $0x2800  }
.LBB2_1:
0xf: {  	[spmem:s11], [sflag:s6] =	dma.local [hbm:s5], $0x2780  }
0x10: {  	_ =	swait.ge [sflag:s12], $0x2780  }
0x11: {  	[sflag:s12] =	ssyncset.done $0x0  }
0x12: {  	[sflag:s12] =	ssyncadd.s32 $0xFFFFD880  }
0x13: {  	[tilespmem:s3], [sflag:$0x2] =	stream.linear.gather [hbm4b:s7+s3], $0x2800, $0x38;
	[tilespmem:$0x1CC00] =	vst v63  }
0x14: {  	_ =	swait.ge [sflag:s12], $0x2800  }
0x15: {  	[sflag:s12] =	ssyncset.done $0x0  }
0x16: {  	[sflag:s12] =	ssyncadd.s32 $0xFFFFD800  }
0x17: {  	[tilespmem:s13], [sflag:$0x2] =	stream.linear.gather [hbm4b:s8+s3], $0x2800, $0x38;
	[tilespmem:$0x1CC00] =	vst v63  }
0x18: {  	_ =	swait.ge [sflag:s12], $0x2800  }
0x19: {  	[sflag:s12] =	ssyncset.done $0x0  }
0x1a: {  	[sflag:s12] =	ssyncadd.s32 $0xFFFFD800  }
0x1b: {  	s18 =	simm.s32 $0x0;
	[bflag:$0x0] =	sbarrier.arrive $0xFFFF  }
0x1c: {  	[tilespmem:s15], [sflag:$0x1] =	stream.indirect.gather [hbm4b:s4+s14], $0x80, s18, s14, $0xb8;
	[tilespmem:$0x1CC00] =	vst v63  }
0x1d: {  	_ =	swait.ge [sflag:s16], $0x3E80  }
0x1e: {  	[sflag:s16] =	ssyncset.done $0x0  }
0x1f: {  	s31 =	simm.s32 $0x2800;
	[sflag:s16] =	ssyncadd.s32 $0xFFFFC180  }
0x20: {  	[spmem:s2] =	stream.indirect.scatter.add.f32 [tilespmem:s15], [sflag:$0x2], $0x80, s31, s14, $0xb8;
	[tilespmem:$0x1CC00] =	vst v63  }
0x21: {  	_ =	swait.ge [sflag:s12], $0x3E80  }
0x22: {  	s19 =	simm.s32 $0x400;
	s18 =	simm.s32 $0x200;
	[sflag:s12] =	ssyncset.done $0x0  }
.LBB2_2:
0x23: {  	s20 =	sshra.s32 s18, $0x2  }
0x24: {  	[sflag:s12] =	ssyncadd.s32 $0xFFFFC180;
	s18 =	smov.u32 s19;
	s21 =	sadd.s32 $0x200, s19  }
0x25: {  	[tilespmem:s15], [sflag:$0x1] =	stream.indirect.gather [hbm4b:s4+s14], $0x80, s20, s14, $0xb8;
	[tilespmem:$0x1CC00] =	vst v63  }
0x26: {  	p0 =	sne.s32 s19, $0x9E00;
	_ =	swait.ge [sflag:s16], $0x3E80  }
.Ltmp0:
0x27: {  	[sflag:s16] =	ssyncset.done $0x0;
	(pc) =	sbr.rel @p0 .LBB2_2-.Ltmp0, $4  }
0x28: {  	s19 =	sadd.s32 $0x2800, s20;
	[sflag:s16] =	ssyncadd.s32 $0xFFFFC180  }
0x29: {  	[spmem:s2] =	stream.indirect.scatter.add.f32 [tilespmem:s15], [sflag:$0x2], $0x80, s19, s14, $0xb8;
	[tilespmem:$0x1CC00] =	vst v63  }
0x2a: {  	_ =	swait.ge [sflag:s12], $0x3E80  }
0x2b: {  	s19 =	smov.u32 s21;
	[sflag:s12] =	ssyncset.done $0x0  }
0x2c: {  	s18 =	sshra.s32 s18, $0x2;
	[sflag:s12] =	ssyncadd.s32 $0xFFFFC180  }
0x2d: {  	[tilespmem:s15], [sflag:$0x1] =	stream.indirect.gather [hbm4b:s4+s14], $0x80, s18, s14, $0xb8;
	[tilespmem:$0x1CC00] =	vst v63  }
0x2e: {  	_ =	swait.ge [sflag:s16], $0x3E80  }
0x2f: {  	[sflag:s16] =	ssyncset.done $0x0  }
0x30: {  	s18 =	sadd.s32 $0x2800, s18;
	[sflag:s16] =	ssyncadd.s32 $0xFFFFC180  }
0x31: {  	[spmem:s2] =	stream.indirect.scatter.add.f32 [tilespmem:s15], [sflag:$0x2], $0x80, s18, s14, $0xb8;
	[tilespmem:$0x1CC00] =	vst v63  }
0x32: {  	_ =	swait.ge [sflag:s12], $0x3E80  }
0x33: {  	s17 =	sadd.s32 $0x1, s17;
	[sflag:s12] =	ssyncset.done $0x0  }
0x34: {  	p0 =	sne.s32 s17, s10;
	[sflag:s12] =	ssyncadd.s32 $0xFFFFC180  }
.Ltmp1:
0x35: {  	[bflag:$0x0] =	sbarrier.arrive $0xFFFF;
	(pc) =	sbr.rel @p0 .LBB2_1-.Ltmp1, $4  }
0x36: {  	[hbm:s9], [sflag:s6] =	dma.local [spmem:s11], $0x2780  }
0x37: {  	_ =	swait.ge [sflag:s12], $0x2780  }
0x38: {  	[sflag:s12] =	ssyncset.done $0x0  }
0x39: {  	[sflag:s12] =	ssyncadd.s32 $0xFFFFD880  }
0x3a: {  	_ =	sfence.sel $0x180000  }
0x3b: {  	[bflag:$0x0] =	sbarrier.arrive $0xFFFF  }
0x3c: {  	p0 =	sne.s32 s0, $0x0;
	_ =	strace $0x90000050  }
0x3d: {  	s0 =	sadd.s32 @!p0 $0x100000, s1;
	[bflag:$0x2] =	sbarrier.arrive $0xFFFF  }
0x3e: {  	[sflag:s0] =	ssyncadd.tile.s32 @!p0 $0x1;
	_ =	shalt  }
.Lfunc_end2:
_tile_overlayer_lowered:
.L_overlay_start_2:
0x3f: {  	(tag) =	ssettag $0x2  }
0x40: {  	s0 =	rddreg [dreg:$0x0];
	s2 =	stileid.u32  }
0x41: {  	s1 =	rddreg [dreg:$0x1];
	p0 =	sne.s32 s2, $0x0  }
0x42: {  	s3 =	rddreg [dreg:$0x2];
	[bflag:$0x3] =	sbarrier.arrive $0xFFFF;
	s2 =	simm.s32 @!p0 $0x1C02  }
0x43: {  	[timem:s3], [sflag:s2] =	dma.local @!p0 [hbm:s0], s1  }
0x44: {  	s0 =	simm.s32 @!p0 $0x2  }
0x45: {  	_ =	swait.ge @!p0 [sflag:s0], s1  }
0x46: {  	s1 =	ssub.s32 @!p0 $0x0, s1;
	[sflag:s0] =	ssyncset.done @!p0 $0x0  }
0x47: {  	[sflag:s0] =	ssyncadd.s32 @!p0 s1  }
0x48: {  	[bflag:$0x3] =	sbarrier.arrive $0xFFFF  }
0x49: {  	_ =	shalt  }

</sc_bundles>
